<compile_context>
chip_gen: v7x
topology: tpu7x:2x2x1
jax: 0.10.2.dev20260603
libtpu: 0.0.44.dev20260713+nightly
codegen_flags: <defaults>
</compile_context>

<pallas_src>
import jax
import jax.numpy as jnp
from jax.experimental import pallas as pl

_RADIUS = 0.3
_K = 32
_N1 = 1024
_M1 = 1024
_TOP_PROB = 0.5
_SIM_TOPK = 4

_HIGHEST = jax.lax.Precision.HIGHEST



def _bq_select_body(dists_ref, out_ref):
    d = dists_ref[0]
    tile, n = d.shape
    col = jax.lax.broadcasted_iota(jnp.int32, (tile, n), 1)
    cand = jnp.where(d > _RADIUS, n, col)
    last = jnp.full((tile, 1), -1, jnp.int32)
    for k in range(_K):
        cur = jnp.min(jnp.where(col > last, cand, n), axis=1, keepdims=True)
        out_ref[0, :, k:k + 1] = cur
        last = cur
    inds = out_ref[0]
    out_ref[0] = jnp.where(inds == n, inds[:, 0:1], inds)


def _bq_select(dists):
    b, nrow, n = dists.shape
    tile = 256
    return pl.pallas_call(
        _bq_select_body,
        grid=(b, nrow // tile),
        in_specs=[pl.BlockSpec((1, tile, n), lambda i, t: (i, t, 0))],
        out_specs=pl.BlockSpec((1, tile, _K), lambda i, t: (i, t, 0)),
        out_shape=jax.ShapeDtypeStruct((b, nrow, _K), jnp.int32),
    )(dists)



def _head_body(sim_ref, inds_ref, tgt_ref, srcp_ref, xol_ref,
               srcs_out, corr_out, xol_out):
    sim = sim_ref[0]
    idx = inds_ref[0]
    n2 = idx.shape[0]
    colm = jax.lax.broadcasted_iota(jnp.int32, (n2, _M1), 1)
    onehot = (colm == idx).astype(jnp.float32)
    sim_sel = jax.lax.dot_general(onehot, sim, (((1,), (0,)), ((), ())),
                                  precision=_HIGHEST,
                                  preferred_element_type=jnp.float32)
    srcs_out[0] = jax.lax.dot_general(onehot, srcp_ref[0],
                                      (((1,), (0,)), ((), ())),
                                      precision=_HIGHEST,
                                      preferred_element_type=jnp.float32)
    coln = jax.lax.broadcasted_iota(jnp.int32, (n2, xol_ref.shape[2]), 1)
    xol_out[0] = jnp.sum(jnp.where(coln == idx, xol_ref[0], 0.0),
                         axis=1, keepdims=True)
    vals = sim_sel
    mask = jnp.zeros_like(sim_sel)
    fmin = jnp.finfo(jnp.float32).min
    for _ in range(_SIM_TOPK):
        mx = jnp.max(vals, axis=1, keepdims=True)
        fpos = jnp.min(jnp.where(vals == mx, colm, _M1), axis=1, keepdims=True)
        sel = colm == fpos
        mask = jnp.where(sel, 1.0, mask)
        vals = jnp.where(sel, fmin, vals)
    masked = sim_sel * mask
    weights = masked / (jnp.sum(masked, axis=1, keepdims=True) + 1e-8)
    corr_out[0] = jax.lax.dot_general(weights, tgt_ref[0],
                                      (((1,), (0,)), ((), ())),
                                      precision=_HIGHEST,
                                      preferred_element_type=jnp.float32)


def _head(sim, sim_max_inds, tgt_s, src_pre, x_ol_sorted):
    b, n1, m1 = sim.shape
    n2 = sim_max_inds.shape[1]
    inds3 = sim_max_inds[:, :, None]
    xol3 = x_ol_sorted[:, None, :]
    srcs, corr, xol = pl.pallas_call(
        _head_body,
        grid=(b,),
        in_specs=[
            pl.BlockSpec((1, n1, m1), lambda i: (i, 0, 0)),
            pl.BlockSpec((1, n2, 1), lambda i: (i, 0, 0)),
            pl.BlockSpec((1, m1, 3), lambda i: (i, 0, 0)),
            pl.BlockSpec((1, n1, 3), lambda i: (i, 0, 0)),
            pl.BlockSpec((1, 1, x_ol_sorted.shape[1]), lambda i: (i, 0, 0)),
        ],
        out_specs=[
            pl.BlockSpec((1, n2, 3), lambda i: (i, 0, 0)),
            pl.BlockSpec((1, n2, 3), lambda i: (i, 0, 0)),
            pl.BlockSpec((1, n2, 1), lambda i: (i, 0, 0)),
        ],
        out_shape=[
            jax.ShapeDtypeStruct((b, n2, 3), jnp.float32),
            jax.ShapeDtypeStruct((b, n2, 3), jnp.float32),
            jax.ShapeDtypeStruct((b, n2, 1), jnp.float32),
        ],
    )(sim, inds3, tgt_s, src_pre, xol3)
    return srcs, corr, xol[:, :, 0]



def _gather_points(points, inds):
    if inds.ndim == 2:
        return jnp.take_along_axis(points, inds[:, :, None], axis=1)
    return jax.vmap(lambda p, i: p[i])(points, inds)


def _ball_query(xyz):
    sq = jnp.sum(xyz ** 2, axis=-1)
    d2 = sq[:, :, None] + sq[:, None, :] - 2.0 * jnp.einsum(
        'bnc,bmc->bnm', xyz, xyz)
    dists = jnp.sqrt(jnp.maximum(d2, 0.0))
    return _bq_select(dists)


def _group_norm(x, num_groups, gamma, beta, eps=1e-5):
    shp = x.shape
    b, c = shp[0], shp[1]
    xg = x.reshape(b, num_groups, -1)
    mean = jnp.mean(xg, axis=-1, keepdims=True)
    var = jnp.var(xg, axis=-1, keepdims=True)
    xg = (xg - mean) / jnp.sqrt(var + eps)
    x = xg.reshape(shp)
    gshape = (1, c) + (1,) * (len(shp) - 2)
    return x * gamma.reshape(gshape) + beta.reshape(gshape)


def _local_feature(xyz, params):
    b, n, _ = xyz.shape
    grouped_inds = _ball_query(xyz)
    flat = (grouped_inds.reshape(b, n * _K)
            + (jnp.arange(b, dtype=jnp.int32) * n)[:, None]).reshape(-1)
    gathered = jnp.take(xyz.reshape(b * n, 3), flat, axis=0)
    grouped_xyz = gathered.reshape(b, n, _K, 3) - xyz[:, :, None, :]
    xyz_rep = jnp.repeat(xyz[:, :, None, :], _K, axis=2)
    new_points = jnp.concatenate([xyz_rep, grouped_xyz], axis=-1)
    x = jnp.transpose(new_points, (0, 3, 2, 1))
    for i in range(3):
        w = params['lf_W%d' % i]
        x = jnp.einsum('bckn,oc->bokn', x, w)
        x = _group_norm(x, w.shape[0] // 32,
                        params['lf_g%d' % i], params['lf_b%d' % i])
        x = jax.nn.relu(x)
    return jnp.max(x, axis=2)


def _attention_block(x, params, i):
    b, c, n = x.shape
    qkw = params['oa%d_qk' % i]
    x_q = jnp.transpose(jnp.einsum('bcn,oc->bon', x, qkw), (0, 2, 1))
    x_k = jnp.einsum('bcn,oc->bon', x, qkw)
    x_v = jnp.einsum('bcn,oc->bon', x, params['oa%d_vW' % i]) \
        + params['oa%d_vb' % i][None, :, None]
    attention = jnp.einsum('bnc,bcm->bnm', x_q, x_k)
    attention = jax.nn.softmax(attention, axis=-1)
    attention = attention / (1e-9 + jnp.sum(attention, axis=1, keepdims=True))
    x_r = jnp.einsum('bcn,bnm->bcm', x_v, attention)
    x_r = x - x_r
    x_r = jnp.einsum('bcn,oc->bon', x_r, params['oa%d_tW' % i]) \
        + params['oa%d_tb' % i][None, :, None]
    x_r = jax.nn.relu(_group_norm(x_r, c // 32,
                                  params['oa%d_g' % i], params['oa%d_b' % i]))
    return x + x_r


def _overlap_attention(x, params):
    x1 = _attention_block(x, params, 1)
    x2 = _attention_block(x1, params, 2)
    x3 = _attention_block(x2, params, 3)
    x4 = _attention_block(x3, params, 4)
    x = jnp.concatenate([x1, x2, x3, x4], axis=1)
    x = jnp.einsum('bcn,oc->bon', x, params['fuse_W'])
    x = _group_norm(x, 16, params['fuse_g'], params['fuse_b'])
    return jnp.where(x >= 0, x, 0.2 * x)


def _extract(points, params):
    f = _local_feature(points, params)
    f = jnp.transpose(_overlap_attention(f, params), (0, 2, 1))
    return f / (jnp.linalg.norm(f, axis=-1, keepdims=True) + 1e-8)



def kernel(src, tgt, x_ol_score, y_ol_score, params, train, iter):
    f_x = _extract(src, params)
    x_inds_full = jnp.argsort(-x_ol_score, axis=-1)
    x_ol_sorted = jnp.take_along_axis(x_ol_score, x_inds_full, axis=-1)
    x_inds = x_inds_full[:, :_N1]
    f_x = _gather_points(f_x, x_inds)
    src_s = _gather_points(src, x_inds)
    f_y = _extract(tgt, params)
    y_inds = jnp.argsort(-y_ol_score, axis=-1)[:, :_M1]
    f_y = _gather_points(f_y, y_inds)
    tgt_s = _gather_points(tgt, y_inds)
    similarity = jnp.einsum('bnc,bmc->bnm', f_x, f_y)
    n2 = int(_TOP_PROB * _N1)
    sim_max = jnp.max(similarity, axis=-1)
    sim_max_inds = jnp.argsort(-sim_max, axis=-1)[:, :n2]
    src_s, tgt_corr, x_ol_out = _head(
        similarity, sim_max_inds, tgt_s, src_s, x_ol_sorted)
    return src_s, tgt_corr, x_ol_out, sim_max_inds

# --- scband reference (transcript-rebuilt; emitter-appended) ---
"""Pipeline reference for scband-tfmrmodule-55473797595434 (READ-ONLY COPY).

The authoritative reference and input builder live on the scoring server;
editing this copy changes nothing except your own understanding.
"""

import jax, jax.numpy as jnp
import numpy as np

RADIUS = 0.3
K_NEIGH = 32
N1 = 1024
M1 = 1024
TOP_PROB = 0.5
SIM_TOPK = 4


def gather_points(points, inds):
    # points: (B, N, C); inds: (B, M) or (B, M, K)
    if inds.ndim == 2:
        return jnp.take_along_axis(points, inds[:, :, None], axis=1)
    return jax.vmap(lambda p, i: p[i])(points, inds)


def ball_query(xyz, radius, K):
    B, N, _ = xyz.shape
    sq = jnp.sum(xyz ** 2, axis=-1)
    d2 = sq[:, :, None] + sq[:, None, :] - 2.0 * jnp.einsum('bnc,bmc->bnm', xyz, xyz)
    dists = jnp.sqrt(jnp.maximum(d2, 0.0))
    inds = jnp.broadcast_to(jnp.arange(N, dtype=jnp.int32)[None, None, :], (B, N, N))
    inds = jnp.where(dists > radius, N, inds)
    inds = jnp.sort(inds, axis=-1)[:, :, :K]
    first = inds[:, :, 0:1]
    inds = jnp.where(inds == N, jnp.broadcast_to(first, inds.shape), inds)
    return inds


def group_norm(x, num_groups, gamma, beta, eps=1e-5):
    shp = x.shape
    B, C = shp[0], shp[1]
    xg = x.reshape(B, num_groups, -1)
    mean = jnp.mean(xg, axis=-1, keepdims=True)
    var = jnp.var(xg, axis=-1, keepdims=True)
    xg = (xg - mean) / jnp.sqrt(var + eps)
    x = xg.reshape(shp)
    gshape = (1, C) + (1,) * (len(shp) - 2)
    return x * gamma.reshape(gshape) + beta.reshape(gshape)


def local_feature(xyz, params):
    # LocalFeatue with feature=None, use_ppf=False
    grouped_inds = ball_query(xyz, RADIUS, K_NEIGH)
    grouped_xyz = gather_points(xyz, grouped_inds) - xyz[:, :, None, :]
    new_points = grouped_xyz  # (B, N, K, 3)
    xyz_rep = jnp.repeat(xyz[:, :, None, :], K_NEIGH, axis=2)
    new_points = jnp.concatenate([xyz_rep, new_points], axis=-1)  # (B, N, K, 6)
    x = jnp.transpose(new_points, (0, 3, 2, 1))  # (B, 6, K, N)
    for i in range(3):
        W = params['lf_W%d' % i]
        x = jnp.einsum('bckn,oc->bokn', x, W)
        x = group_norm(x, W.shape[0] // 32, params['lf_g%d' % i], params['lf_b%d' % i])
        x = jax.nn.relu(x)
    return jnp.max(x, axis=2)  # (B, C2, N)


def attention_block(x, params, i):
    B, C, N = x.shape
    qkW = params['oa%d_qk' % i]  # shared q/k weight
    x_q = jnp.transpose(jnp.einsum('bcn,oc->bon', x, qkW), (0, 2, 1))
    x_k = jnp.einsum('bcn,oc->bon', x, qkW)
    x_v = jnp.einsum('bcn,oc->bon', x, params['oa%d_vW' % i]) + params['oa%d_vb' % i][None, :, None]
    attention = jnp.einsum('bnc,bcm->bnm', x_q, x_k)
    attention = jax.nn.softmax(attention, axis=-1)
    attention = attention / (1e-9 + jnp.sum(attention, axis=1, keepdims=True))
    x_r = jnp.einsum('bcn,bnm->bcm', x_v, attention)
    x_r = x - x_r
    x_r = jnp.einsum('bcn,oc->bon', x_r, params['oa%d_tW' % i]) + params['oa%d_tb' % i][None, :, None]
    x_r = jax.nn.relu(group_norm(x_r, C // 32, params['oa%d_g' % i], params['oa%d_b' % i]))
    return x + x_r


def overlap_attention(x, params):
    x1 = attention_block(x, params, 1)
    x2 = attention_block(x1, params, 2)
    x3 = attention_block(x2, params, 3)
    x4 = attention_block(x3, params, 4)
    x = jnp.concatenate([x1, x2, x3, x4], axis=1)
    x = jnp.einsum('bcn,oc->bon', x, params['fuse_W'])
    x = group_norm(x, 16, params['fuse_g'], params['fuse_b'])
    return jnp.where(x >= 0, x, 0.2 * x)  # LeakyReLU(0.2)


def extract(points, params):
    f = local_feature(points, params)
    f = jnp.transpose(overlap_attention(f, params), (0, 2, 1))
    return f / (jnp.linalg.norm(f, axis=-1, keepdims=True) + 1e-8)


def tfmr(src, tgt, x_ol_score, y_ol_score, params, train, iter):
    f_x = extract(src, params)
    x_inds_full = jnp.argsort(-x_ol_score, axis=-1)
    x_ol_sorted = jnp.take_along_axis(x_ol_score, x_inds_full, axis=-1)
    x_inds = x_inds_full[:, :N1]
    f_x = gather_points(f_x, x_inds)
    src_s = gather_points(src, x_inds)
    # iter == 0 branch: compute target features
    f_y = extract(tgt, params)
    y_inds = jnp.argsort(-y_ol_score, axis=-1)[:, :M1]
    f_y = gather_points(f_y, y_inds)
    tgt_s = gather_points(tgt, y_inds)
    similarity = jnp.einsum('bnc,bmc->bnm', f_x, f_y)  # (B, N1, M1)
    N2 = int(TOP_PROB * N1)
    sim_max = jnp.max(similarity, axis=-1)
    sim_max_inds = jnp.argsort(-sim_max, axis=-1)[:, :N2]
    src_s = gather_points(src_s, sim_max_inds)
    similarity = jnp.take_along_axis(similarity, sim_max_inds[:, :, None], axis=1)
    x_ol_out = jnp.take_along_axis(x_ol_sorted, sim_max_inds, axis=-1)
    # top-k masking over correspondences
    _, topk_inds = jax.lax.top_k(similarity, SIM_TOPK)
    Bd, N2d, M1d = similarity.shape
    bi = jnp.arange(Bd)[:, None, None]
    ri = jnp.arange(N2d)[None, :, None]
    mask = jnp.zeros_like(similarity).at[bi, ri, topk_inds].set(1.0)
    similarity = similarity * mask
    weights = similarity / (jnp.sum(similarity, axis=-1, keepdims=True) + 1e-8)
    tgt_corr = jnp.einsum('bnm,bmc->bnc', weights, tgt_s)
    return src_s, tgt_corr, x_ol_out, sim_max_inds


def setup_inputs(seed: int = 0) -> dict:
    key = jax.random.key(seed)
    ks = jax.random.split(key, 64)
    B, N, M = 4, 2048, 2048
    inp = {}
    inp['src'] = jax.random.uniform(ks[0], (B, N, 3), dtype=jnp.float32)
    inp['tgt'] = jax.random.uniform(ks[1], (B, M, 3), dtype=jnp.float32)
    inp['x_ol_score'] = jax.random.uniform(ks[2], (B, N), dtype=jnp.float32)
    inp['y_ol_score'] = jax.random.uniform(ks[3], (B, M), dtype=jnp.float32)
    params = {}
    c = 4
    lf_dims = [(128, 6), (256, 128), (128, 256)]
    for i, (o, ci) in enumerate(lf_dims):
        params['lf_W%d' % i] = jax.random.normal(ks[c], (o, ci), dtype=jnp.float32) * 0.1
        c += 1
        params['lf_g%d' % i] = jnp.ones((o,), jnp.float32)
        params['lf_b%d' % i] = jnp.zeros((o,), jnp.float32)
    for i in range(1, 5):
        params['oa%d_qk' % i] = jax.random.normal(ks[c], (32, 128), dtype=jnp.float32) * 0.1
        c += 1
        params['oa%d_vW' % i] = jax.random.normal(ks[c], (128, 128), dtype=jnp.float32) * 0.1
        c += 1
        params['oa%d_vb' % i] = jnp.zeros((128,), jnp.float32)
        params['oa%d_tW' % i] = jax.random.normal(ks[c], (128, 128), dtype=jnp.float32) * 0.1
        c += 1
        params['oa%d_tb' % i] = jnp.zeros((128,), jnp.float32)
        params['oa%d_g' % i] = jnp.ones((128,), jnp.float32)
        params['oa%d_b' % i] = jnp.zeros((128,), jnp.float32)
    params['fuse_W'] = jax.random.normal(ks[c], (512, 512), dtype=jnp.float32) * 0.05
    params['fuse_g'] = jnp.ones((512,), jnp.float32)
    params['fuse_b'] = jnp.zeros((512,), jnp.float32)
    inp['params'] = params
    inp['train'] = 0
    inp['iter'] = 0
    return inp


def reference(src, tgt, x_ol_score, y_ol_score, params, train, iter):
    return tfmr(src, tgt, x_ol_score, y_ol_score, params, train, iter)

if __name__ == "__main__":
    import jax
    _d = setup_inputs()
    print(jax.jit(kernel)(*tuple(_d.values())))

</pallas_src>

<mosaic_0001>
module attributes {stable_mosaic.version = 14 : i64} {
  func.func @_bq_select_body(%arg0: i32, %arg1: i32, %arg2: memref<1x256x2048xf32, #tpu.memory_space<vmem>>, %arg3: memref<1x256x32xi32, #tpu.memory_space<vmem>>) attributes {dimension_semantics = [#tpu.dimension_semantics<arbitrary>, #tpu.dimension_semantics<arbitrary>], iteration_bounds = array<i64: 4, 8>, scalar_prefetch = 0 : i64, scratch_operands = 0 : i64, tpu.core_type = #tpu.core_type<tc>, window_params = [{transform_indices = @transform_0, window_bounds = array<i64: 1, 256, 2048>}, {transform_indices = @transform_1, window_bounds = array<i64: 1, 256, 32>}]} {
    %get3A = arith.constant 0 : index
    %get3A_0 = arith.constant 0 : index
    %get3A_1 = arith.constant 0 : index
    %get3A_2 = vector.load %arg2[%get3A, %get3A_0, %get3A_1] : memref<1x256x2048xf32, #tpu.memory_space<vmem>>, vector<1x256x2048xf32>
    %get3A_3 = vector.shape_cast %get3A_2 : vector<1x256x2048xf32> to vector<256x2048xf32>
    %iota3A = tpu.iota {dimensions = array<i32: 1>} : vector<256x2048xi32>
    %gt3A = arith.constant 3.000000e-01 : f32
    %gt3A_4 = vector.broadcast %gt3A : f32 to vector<256x2048xf32>
    %gt3A_5 = arith.cmpf ogt, %get3A_3, %gt3A_4 : vector<256x2048xf32>
    %jit3A = arith.constant 2048 : i32
    %broadcast_in_dim3A = vector.broadcast %jit3A : i32 to vector<256x2048xi32>
    %select_n3A = arith.select %gt3A_5, %broadcast_in_dim3A, %iota3A : vector<256x2048xi1>, vector<256x2048xi32>
    %broadcast_in_dim3A_6 = arith.constant -1 : i32
    %broadcast_in_dim3A_7 = vector.broadcast %broadcast_in_dim3A_6 : i32 to vector<256x1xi32>
    %gt3A_8 = vector.broadcast %broadcast_in_dim3A_7 : vector<256x1xi32> to vector<256x2048xi32>
    %gt3A_9 = arith.cmpi sgt, %iota3A, %gt3A_8 : vector<256x2048xi32>
    %jit3A_10 = arith.constant 2048 : i32
    %broadcast_in_dim3A_11 = vector.broadcast %jit3A_10 : i32 to vector<256x2048xi32>
    %select_n3A_12 = arith.select %gt3A_9, %select_n3A, %broadcast_in_dim3A_11 : vector<256x2048xi1>, vector<256x2048xi32>
    %reduce_min3A = arith.constant dense<2147483647> : vector<256xi32>
    %reduce_min3A_13 = vector.multi_reduction <minsi>, %select_n3A_12, %reduce_min3A [1] : vector<256x2048xi32> to vector<256xi32>
    %broadcast_in_dim3A_14 = vector.shape_cast %reduce_min3A_13 : vector<256xi32> to vector<256x1xi32>
    %swap3A = arith.constant 0 : index
    %swap3A_15 = arith.constant 0 : index
    %swap3A_16 = arith.constant 0 : index
    %swap3A_17 = vector.load %arg3[%swap3A, %swap3A_15, %swap3A_16] : memref<1x256x32xi32, #tpu.memory_space<vmem>>, vector<1x256x1xi32>
    %swap3A_18 = vector.shape_cast %swap3A_17 : vector<1x256x1xi32> to vector<256x1xi32>
    %swap3A_19 = vector.shape_cast %broadcast_in_dim3A_14 : vector<256x1xi32> to vector<1x256x1xi32>
    tpu.vector_store %arg3[%swap3A, %swap3A_15, %swap3A_16], %swap3A_19 {strides = array<i32>} : memref<1x256x32xi32, #tpu.memory_space<vmem>>, vector<1x256x1xi32>,
    %gt3A_20 = vector.broadcast %broadcast_in_dim3A_14 : vector<256x1xi32> to vector<256x2048xi32>
    %gt3A_21 = arith.cmpi sgt, %iota3A, %gt3A_20 : vector<256x2048xi32>
    %jit3A_22 = arith.constant 2048 : i32
    %broadcast_in_dim3A_23 = vector.broadcast %jit3A_22 : i32 to vector<256x2048xi32>
    %select_n3A_24 = arith.select %gt3A_21, %select_n3A, %broadcast_in_dim3A_23 : vector<256x2048xi1>, vector<256x2048xi32>
    %reduce_min3A_25 = arith.constant dense<2147483647> : vector<256xi32>
    %reduce_min3A_26 = vector.multi_reduction <minsi>, %select_n3A_24, %reduce_min3A_25 [1] : vector<256x2048xi32> to vector<256xi32>
    %broadcast_in_dim3A_27 = vector.shape_cast %reduce_min3A_26 : vector<256xi32> to vector<256x1xi32>
    %swap3A_28 = arith.constant 0 : index
    %swap3A_29 = arith.constant 0 : index
    %swap3A_30 = arith.constant 1 : index
    %swap3A_31 = vector.load %arg3[%swap3A_28, %swap3A_29, %swap3A_30] : memref<1x256x32xi32, #tpu.memory_space<vmem>>, vector<1x256x1xi32>
    %swap3A_32 = vector.shape_cast %swap3A_31 : vector<1x256x1xi32> to vector<256x1xi32>
    %swap3A_33 = vector.shape_cast %broadcast_in_dim3A_27 : vector<256x1xi32> to vector<1x256x1xi32>
    tpu.vector_store %arg3[%swap3A_28, %swap3A_29, %swap3A_30], %swap3A_33 {strides = array<i32>} : memref<1x256x32xi32, #tpu.memory_space<vmem>>, vector<1x256x1xi32>,
    %gt3A_34 = vector.broadcast %broadcast_in_dim3A_27 : vector<256x1xi32> to vector<256x2048xi32>
    %gt3A_35 = arith.cmpi sgt, %iota3A, %gt3A_34 : vector<256x2048xi32>
    %jit3A_36 = arith.constant 2048 : i32
    %broadcast_in_dim3A_37 = vector.broadcast %jit3A_36 : i32 to vector<256x2048xi32>
    %select_n3A_38 = arith.select %gt3A_35, %select_n3A, %broadcast_in_dim3A_37 : vector<256x2048xi1>, vector<256x2048xi32>
    %reduce_min3A_39 = arith.constant dense<2147483647> : vector<256xi32>
    %reduce_min3A_40 = vector.multi_reduction <minsi>, %select_n3A_38, %reduce_min3A_39 [1] : vector<256x2048xi32> to vector<256xi32>
    %broadcast_in_dim3A_41 = vector.shape_cast %reduce_min3A_40 : vector<256xi32> to vector<256x1xi32>
    %swap3A_42 = arith.constant 0 : index
    %swap3A_43 = arith.constant 0 : index
    %swap3A_44 = arith.constant 2 : index
    %swap3A_45 = vector.load %arg3[%swap3A_42, %swap3A_43, %swap3A_44] : memref<1x256x32xi32, #tpu.memory_space<vmem>>, vector<1x256x1xi32>
    %swap3A_46 = vector.shape_cast %swap3A_45 : vector<1x256x1xi32> to vector<256x1xi32>
    %swap3A_47 = vector.shape_cast %broadcast_in_dim3A_41 : vector<256x1xi32> to vector<1x256x1xi32>
    tpu.vector_store %arg3[%swap3A_42, %swap3A_43, %swap3A_44], %swap3A_47 {strides = array<i32>} : memref<1x256x32xi32, #tpu.memory_space<vmem>>, vector<1x256x1xi32>,
    %gt3A_48 = vector.broadcast %broadcast_in_dim3A_41 : vector<256x1xi32> to vector<256x2048xi32>
    %gt3A_49 = arith.cmpi sgt, %iota3A, %gt3A_48 : vector<256x2048xi32>
    %jit3A_50 = arith.constant 2048 : i32
    %broadcast_in_dim3A_51 = vector.broadcast %jit3A_50 : i32 to vector<256x2048xi32>
    %select_n3A_52 = arith.select %gt3A_49, %select_n3A, %broadcast_in_dim3A_51 : vector<256x2048xi1>, vector<256x2048xi32>
    %reduce_min3A_53 = arith.constant dense<2147483647> : vector<256xi32>
    %reduce_min3A_54 = vector.multi_reduction <minsi>, %select_n3A_52, %reduce_min3A_53 [1] : vector<256x2048xi32> to vector<256xi32>
    %broadcast_in_dim3A_55 = vector.shape_cast %reduce_min3A_54 : vector<256xi32> to vector<256x1xi32>
    %swap3A_56 = arith.constant 0 : index
    %swap3A_57 = arith.constant 0 : index
    %swap3A_58 = arith.constant 3 : index
    %swap3A_59 = vector.load %arg3[%swap3A_56, %swap3A_57, %swap3A_58] : memref<1x256x32xi32, #tpu.memory_space<vmem>>, vector<1x256x1xi32>
    %swap3A_60 = vector.shape_cast %swap3A_59 : vector<1x256x1xi32> to vector<256x1xi32>
    %swap3A_61 = vector.shape_cast %broadcast_in_dim3A_55 : vector<256x1xi32> to vector<1x256x1xi32>
    tpu.vector_store %arg3[%swap3A_56, %swap3A_57, %swap3A_58], %swap3A_61 {strides = array<i32>} : memref<1x256x32xi32, #tpu.memory_space<vmem>>, vector<1x256x1xi32>,
    %gt3A_62 = vector.broadcast %broadcast_in_dim3A_55 : vector<256x1xi32> to vector<256x2048xi32>
    %gt3A_63 = arith.cmpi sgt, %iota3A, %gt3A_62 : vector<256x2048xi32>
    %jit3A_64 = arith.constant 2048 : i32
    %broadcast_in_dim3A_65 = vector.broadcast %jit3A_64 : i32 to vector<256x2048xi32>
    %select_n3A_66 = arith.select %gt3A_63, %select_n3A, %broadcast_in_dim3A_65 : vector<256x2048xi1>, vector<256x2048xi32>
    %reduce_min3A_67 = arith.constant dense<2147483647> : vector<256xi32>
    %reduce_min3A_68 = vector.multi_reduction <minsi>, %select_n3A_66, %reduce_min3A_67 [1] : vector<256x2048xi32> to vector<256xi32>
    %broadcast_in_dim3A_69 = vector.shape_cast %reduce_min3A_68 : vector<256xi32> to vector<256x1xi32>
    %swap3A_70 = arith.constant 0 : index
    %swap3A_71 = arith.constant 0 : index
    %swap3A_72 = arith.constant 4 : index
    %swap3A_73 = vector.load %arg3[%swap3A_70, %swap3A_71, %swap3A_72] : memref<1x256x32xi32, #tpu.memory_space<vmem>>, vector<1x256x1xi32>
    %swap3A_74 = vector.shape_cast %swap3A_73 : vector<1x256x1xi32> to vector<256x1xi32>
    %swap3A_75 = vector.shape_cast %broadcast_in_dim3A_69 : vector<256x1xi32> to vector<1x256x1xi32>
    tpu.vector_store %arg3[%swap3A_70, %swap3A_71, %swap3A_72], %swap3A_75 {strides = array<i32>} : memref<1x256x32xi32, #tpu.memory_space<vmem>>, vector<1x256x1xi32>,
    %gt3A_76 = vector.broadcast %broadcast_in_dim3A_69 : vector<256x1xi32> to vector<256x2048xi32>
    %gt3A_77 = arith.cmpi sgt, %iota3A, %gt3A_76 : vector<256x2048xi32>
    %jit3A_78 = arith.constant 2048 : i32
    %broadcast_in_dim3A_79 = vector.broadcast %jit3A_78 : i32 to vector<256x2048xi32>
    %select_n3A_80 = arith.select %gt3A_77, %select_n3A, %broadcast_in_dim3A_79 : vector<256x2048xi1>, vector<256x2048xi32>
    %reduce_min3A_81 = arith.constant dense<2147483647> : vector<256xi32>
    %reduce_min3A_82 = vector.multi_reduction <minsi>, %select_n3A_80, %reduce_min3A_81 [1] : vector<256x2048xi32> to vector<256xi32>
    %broadcast_in_dim3A_83 = vector.shape_cast %reduce_min3A_82 : vector<256xi32> to vector<256x1xi32>
    %swap3A_84 = arith.constant 0 : index
    %swap3A_85 = arith.constant 0 : index
    %swap3A_86 = arith.constant 5 : index
    %swap3A_87 = vector.load %arg3[%swap3A_84, %swap3A_85, %swap3A_86] : memref<1x256x32xi32, #tpu.memory_space<vmem>>, vector<1x256x1xi32>
    %swap3A_88 = vector.shape_cast %swap3A_87 : vector<1x256x1xi32> to vector<256x1xi32>
    %swap3A_89 = vector.shape_cast %broadcast_in_dim3A_83 : vector<256x1xi32> to vector<1x256x1xi32>
    tpu.vector_store %arg3[%swap3A_84, %swap3A_85, %swap3A_86], %swap3A_89 {strides = array<i32>} : memref<1x256x32xi32, #tpu.memory_space<vmem>>, vector<1x256x1xi32>,
    %gt3A_90 = vector.broadcast %broadcast_in_dim3A_83 : vector<256x1xi32> to vector<256x2048xi32>
    %gt3A_91 = arith.cmpi sgt, %iota3A, %gt3A_90 : vector<256x2048xi32>
    %jit3A_92 = arith.constant 2048 : i32
    %broadcast_in_dim3A_93 = vector.broadcast %jit3A_92 : i32 to vector<256x2048xi32>
    %select_n3A_94 = arith.select %gt3A_91, %select_n3A, %broadcast_in_dim3A_93 : vector<256x2048xi1>, vector<256x2048xi32>
    %reduce_min3A_95 = arith.constant dense<2147483647> : vector<256xi32>
    %reduce_min3A_96 = vector.multi_reduction <minsi>, %select_n3A_94, %reduce_min3A_95 [1] : vector<256x2048xi32> to vector<256xi32>
    %broadcast_in_dim3A_97 = vector.shape_cast %reduce_min3A_96 : vector<256xi32> to vector<256x1xi32>
    %swap3A_98 = arith.constant 0 : index
    %swap3A_99 = arith.constant 0 : index
    %swap3A_100 = arith.constant 6 : index
    %swap3A_101 = vector.load %arg3[%swap3A_98, %swap3A_99, %swap3A_100] : memref<1x256x32xi32, #tpu.memory_space<vmem>>, vector<1x256x1xi32>
    %swap3A_102 = vector.shape_cast %swap3A_101 : vector<1x256x1xi32> to vector<256x1xi32>
    %swap3A_103 = vector.shape_cast %broadcast_in_dim3A_97 : vector<256x1xi32> to vector<1x256x1xi32>
    tpu.vector_store %arg3[%swap3A_98, %swap3A_99, %swap3A_100], %swap3A_103 {strides = array<i32>} : memref<1x256x32xi32, #tpu.memory_space<vmem>>, vector<1x256x1xi32>,
    %gt3A_104 = vector.broadcast %broadcast_in_dim3A_97 : vector<256x1xi32> to vector<256x2048xi32>
    %gt3A_105 = arith.cmpi sgt, %iota3A, %gt3A_104 : vector<256x2048xi32>
    %jit3A_106 = arith.constant 2048 : i32
    %broadcast_in_dim3A_107 = vector.broadcast %jit3A_106 : i32 to vector<256x2048xi32>
    %select_n3A_108 = arith.select %gt3A_105, %select_n3A, %broadcast_in_dim3A_107 : vector<256x2048xi1>, vector<256x2048xi32>
    %reduce_min3A_109 = arith.constant dense<2147483647> : vector<256xi32>
    %reduce_min3A_110 = vector.multi_reduction <minsi>, %select_n3A_108, %reduce_min3A_109 [1] : vector<256x2048xi32> to vector<256xi32>
    %broadcast_in_dim3A_111 = vector.shape_cast %reduce_min3A_110 : vector<256xi32> to vector<256x1xi32>
    %swap3A_112 = arith.constant 0 : index
    %swap3A_113 = arith.constant 0 : index
    %swap3A_114 = arith.constant 7 : index
    %swap3A_115 = vector.load %arg3[%swap3A_112, %swap3A_113, %swap3A_114] : memref<1x256x32xi32, #tpu.memory_space<vmem>>, vector<1x256x1xi32>
    %swap3A_116 = vector.shape_cast %swap3A_115 : vector<1x256x1xi32> to vector<256x1xi32>
    %swap3A_117 = vector.shape_cast %broadcast_in_dim3A_111 : vector<256x1xi32> to vector<1x256x1xi32>
    tpu.vector_store %arg3[%swap3A_112, %swap3A_113, %swap3A_114], %swap3A_117 {strides = array<i32>} : memref<1x256x32xi32, #tpu.memory_space<vmem>>, vector<1x256x1xi32>,
    %gt3A_118 = vector.broadcast %broadcast_in_dim3A_111 : vector<256x1xi32> to vector<256x2048xi32>
    %gt3A_119 = arith.cmpi sgt, %iota3A, %gt3A_118 : vector<256x2048xi32>
    %jit3A_120 = arith.constant 2048 : i32
    %broadcast_in_dim3A_121 = vector.broadcast %jit3A_120 : i32 to vector<256x2048xi32>
    %select_n3A_122 = arith.select %gt3A_119, %select_n3A, %broadcast_in_dim3A_121 : vector<256x2048xi1>, vector<256x2048xi32>
    %reduce_min3A_123 = arith.constant dense<2147483647> : vector<256xi32>
    %reduce_min3A_124 = vector.multi_reduction <minsi>, %select_n3A_122, %reduce_min3A_123 [1] : vector<256x2048xi32> to vector<256xi32>
    %broadcast_in_dim3A_125 = vector.shape_cast %reduce_min3A_124 : vector<256xi32> to vector<256x1xi32>
    %swap3A_126 = arith.constant 0 : index
    %swap3A_127 = arith.constant 0 : index
    %swap3A_128 = arith.constant 8 : index
    %swap3A_129 = vector.load %arg3[%swap3A_126, %swap3A_127, %swap3A_128] : memref<1x256x32xi32, #tpu.memory_space<vmem>>, vector<1x256x1xi32>
    %swap3A_130 = vector.shape_cast %swap3A_129 : vector<1x256x1xi32> to vector<256x1xi32>
    %swap3A_131 = vector.shape_cast %broadcast_in_dim3A_125 : vector<256x1xi32> to vector<1x256x1xi32>
    tpu.vector_store %arg3[%swap3A_126, %swap3A_127, %swap3A_128], %swap3A_131 {strides = array<i32>} : memref<1x256x32xi32, #tpu.memory_space<vmem>>, vector<1x256x1xi32>,
    %gt3A_132 = vector.broadcast %broadcast_in_dim3A_125 : vector<256x1xi32> to vector<256x2048xi32>
    %gt3A_133 = arith.cmpi sgt, %iota3A, %gt3A_132 : vector<256x2048xi32>
    %jit3A_134 = arith.constant 2048 : i32
    %broadcast_in_dim3A_135 = vector.broadcast %jit3A_134 : i32 to vector<256x2048xi32>
    %select_n3A_136 = arith.select %gt3A_133, %select_n3A, %broadcast_in_dim3A_135 : vector<256x2048xi1>, vector<256x2048xi32>
    %reduce_min3A_137 = arith.constant dense<2147483647> : vector<256xi32>
    %reduce_min3A_138 = vector.multi_reduction <minsi>, %select_n3A_136, %reduce_min3A_137 [1] : vector<256x2048xi32> to vector<256xi32>
    %broadcast_in_dim3A_139 = vector.shape_cast %reduce_min3A_138 : vector<256xi32> to vector<256x1xi32>
    %swap3A_140 = arith.constant 0 : index
    %swap3A_141 = arith.constant 0 : index
    %swap3A_142 = arith.constant 9 : index
    %swap3A_143 = vector.load %arg3[%swap3A_140, %swap3A_141, %swap3A_142] : memref<1x256x32xi32, #tpu.memory_space<vmem>>, vector<1x256x1xi32>
    %swap3A_144 = vector.shape_cast %swap3A_143 : vector<1x256x1xi32> to vector<256x1xi32>
    %swap3A_145 = vector.shape_cast %broadcast_in_dim3A_139 : vector<256x1xi32> to vector<1x256x1xi32>
    tpu.vector_store %arg3[%swap3A_140, %swap3A_141, %swap3A_142], %swap3A_145 {strides = array<i32>} : memref<1x256x32xi32, #tpu.memory_space<vmem>>, vector<1x256x1xi32>,
    %gt3A_146 = vector.broadcast %broadcast_in_dim3A_139 : vector<256x1xi32> to vector<256x2048xi32>
    %gt3A_147 = arith.cmpi sgt, %iota3A, %gt3A_146 : vector<256x2048xi32>
    %jit3A_148 = arith.constant 2048 : i32
    %broadcast_in_dim3A_149 = vector.broadcast %jit3A_148 : i32 to vector<256x2048xi32>
    %select_n3A_150 = arith.select %gt3A_147, %select_n3A, %broadcast_in_dim3A_149 : vector<256x2048xi1>, vector<256x2048xi32>
    %reduce_min3A_151 = arith.constant dense<2147483647> : vector<256xi32>
    %reduce_min3A_152 = vector.multi_reduction <minsi>, %select_n3A_150, %reduce_min3A_151 [1] : vector<256x2048xi32> to vector<256xi32>
    %broadcast_in_dim3A_153 = vector.shape_cast %reduce_min3A_152 : vector<256xi32> to vector<256x1xi32>
    %swap3A_154 = arith.constant 0 : index
    %swap3A_155 = arith.constant 0 : index
    %swap3A_156 = arith.constant 10 : index
    %swap3A_157 = vector.load %arg3[%swap3A_154, %swap3A_155, %swap3A_156] : memref<1x256x32xi32, #tpu.memory_space<vmem>>, vector<1x256x1xi32>
    %swap3A_158 = vector.shape_cast %swap3A_157 : vector<1x256x1xi32> to vector<256x1xi32>
    %swap3A_159 = vector.shape_cast %broadcast_in_dim3A_153 : vector<256x1xi32> to vector<1x256x1xi32>
    tpu.vector_store %arg3[%swap3A_154, %swap3A_155, %swap3A_156], %swap3A_159 {strides = array<i32>} : memref<1x256x32xi32, #tpu.memory_space<vmem>>, vector<1x256x1xi32>,
    %gt3A_160 = vector.broadcast %broadcast_in_dim3A_153 : vector<256x1xi32> to vector<256x2048xi32>
    %gt3A_161 = arith.cmpi sgt, %iota3A, %gt3A_160 : vector<256x2048xi32>
    %jit3A_162 = arith.constant 2048 : i32
    %broadcast_in_dim3A_163 = vector.broadcast %jit3A_162 : i32 to vector<256x2048xi32>
    %select_n3A_164 = arith.select %gt3A_161, %select_n3A, %broadcast_in_dim3A_163 : vector<256x2048xi1>, vector<256x2048xi32>
    %reduce_min3A_165 = arith.constant dense<2147483647> : vector<256xi32>
    %reduce_min3A_166 = vector.multi_reduction <minsi>, %select_n3A_164, %reduce_min3A_165 [1] : vector<256x2048xi32> to vector<256xi32>
    %broadcast_in_dim3A_167 = vector.shape_cast %reduce_min3A_166 : vector<256xi32> to vector<256x1xi32>
    %swap3A_168 = arith.constant 0 : index
    %swap3A_169 = arith.constant 0 : index
    %swap3A_170 = arith.constant 11 : index
    %swap3A_171 = vector.load %arg3[%swap3A_168, %swap3A_169, %swap3A_170] : memref<1x256x32xi32, #tpu.memory_space<vmem>>, vector<1x256x1xi32>
    %swap3A_172 = vector.shape_cast %swap3A_171 : vector<1x256x1xi32> to vector<256x1xi32>
    %swap3A_173 = vector.shape_cast %broadcast_in_dim3A_167 : vector<256x1xi32> to vector<1x256x1xi32>
    tpu.vector_store %arg3[%swap3A_168, %swap3A_169, %swap3A_170], %swap3A_173 {strides = array<i32>} : memref<1x256x32xi32, #tpu.memory_space<vmem>>, vector<1x256x1xi32>,
    %gt3A_174 = vector.broadcast %broadcast_in_dim3A_167 : vector<256x1xi32> to vector<256x2048xi32>
    %gt3A_175 = arith.cmpi sgt, %iota3A, %gt3A_174 : vector<256x2048xi32>
    %jit3A_176 = arith.constant 2048 : i32
    %broadcast_in_dim3A_177 = vector.broadcast %jit3A_176 : i32 to vector<256x2048xi32>
    %select_n3A_178 = arith.select %gt3A_175, %select_n3A, %broadcast_in_dim3A_177 : vector<256x2048xi1>, vector<256x2048xi32>
    %reduce_min3A_179 = arith.constant dense<2147483647> : vector<256xi32>
    %reduce_min3A_180 = vector.multi_reduction <minsi>, %select_n3A_178, %reduce_min3A_179 [1] : vector<256x2048xi32> to vector<256xi32>
    %broadcast_in_dim3A_181 = vector.shape_cast %reduce_min3A_180 : vector<256xi32> to vector<256x1xi32>
    %swap3A_182 = arith.constant 0 : index
    %swap3A_183 = arith.constant 0 : index
    %swap3A_184 = arith.constant 12 : index
    %swap3A_185 = vector.load %arg3[%swap3A_182, %swap3A_183, %swap3A_184] : memref<1x256x32xi32, #tpu.memory_space<vmem>>, vector<1x256x1xi32>
    %swap3A_186 = vector.shape_cast %swap3A_185 : vector<1x256x1xi32> to vector<256x1xi32>
    %swap3A_187 = vector.shape_cast %broadcast_in_dim3A_181 : vector<256x1xi32> to vector<1x256x1xi32>
    tpu.vector_store %arg3[%swap3A_182, %swap3A_183, %swap3A_184], %swap3A_187 {strides = array<i32>} : memref<1x256x32xi32, #tpu.memory_space<vmem>>, vector<1x256x1xi32>,
    %gt3A_188 = vector.broadcast %broadcast_in_dim3A_181 : vector<256x1xi32> to vector<256x2048xi32>
    %gt3A_189 = arith.cmpi sgt, %iota3A, %gt3A_188 : vector<256x2048xi32>
    %jit3A_190 = arith.constant 2048 : i32
    %broadcast_in_dim3A_191 = vector.broadcast %jit3A_190 : i32 to vector<256x2048xi32>
    %select_n3A_192 = arith.select %gt3A_189, %select_n3A, %broadcast_in_dim3A_191 : vector<256x2048xi1>, vector<256x2048xi32>
    %reduce_min3A_193 = arith.constant dense<2147483647> : vector<256xi32>
    %reduce_min3A_194 = vector.multi_reduction <minsi>, %select_n3A_192, %reduce_min3A_193 [1] : vector<256x2048xi32> to vector<256xi32>
    %broadcast_in_dim3A_195 = vector.shape_cast %reduce_min3A_194 : vector<256xi32> to vector<256x1xi32>
    %swap3A_196 = arith.constant 0 : index
    %swap3A_197 = arith.constant 0 : index
    %swap3A_198 = arith.constant 13 : index
    %swap3A_199 = vector.load %arg3[%swap3A_196, %swap3A_197, %swap3A_198] : memref<1x256x32xi32, #tpu.memory_space<vmem>>, vector<1x256x1xi32>
    %swap3A_200 = vector.shape_cast %swap3A_199 : vector<1x256x1xi32> to vector<256x1xi32>
    %swap3A_201 = vector.shape_cast %broadcast_in_dim3A_195 : vector<256x1xi32> to vector<1x256x1xi32>
    tpu.vector_store %arg3[%swap3A_196, %swap3A_197, %swap3A_198], %swap3A_201 {strides = array<i32>} : memref<1x256x32xi32, #tpu.memory_space<vmem>>, vector<1x256x1xi32>,
    %gt3A_202 = vector.broadcast %broadcast_in_dim3A_195 : vector<256x1xi32> to vector<256x2048xi32>
    %gt3A_203 = arith.cmpi sgt, %iota3A, %gt3A_202 : vector<256x2048xi32>
    %jit3A_204 = arith.constant 2048 : i32
    %broadcast_in_dim3A_205 = vector.broadcast %jit3A_204 : i32 to vector<256x2048xi32>
    %select_n3A_206 = arith.select %gt3A_203, %select_n3A, %broadcast_in_dim3A_205 : vector<256x2048xi1>, vector<256x2048xi32>
    %reduce_min3A_207 = arith.constant dense<2147483647> : vector<256xi32>
    %reduce_min3A_208 = vector.multi_reduction <minsi>, %select_n3A_206, %reduce_min3A_207 [1] : vector<256x2048xi32> to vector<256xi32>
    %broadcast_in_dim3A_209 = vector.shape_cast %reduce_min3A_208 : vector<256xi32> to vector<256x1xi32>
    %swap3A_210 = arith.constant 0 : index
    %swap3A_211 = arith.constant 0 : index
    %swap3A_212 = arith.constant 14 : index
    %swap3A_213 = vector.load %arg3[%swap3A_210, %swap3A_211, %swap3A_212] : memref<1x256x32xi32, #tpu.memory_space<vmem>>, vector<1x256x1xi32>
    %swap3A_214 = vector.shape_cast %swap3A_213 : vector<1x256x1xi32> to vector<256x1xi32>
    %swap3A_215 = vector.shape_cast %broadcast_in_dim3A_209 : vector<256x1xi32> to vector<1x256x1xi32>
    tpu.vector_store %arg3[%swap3A_210, %swap3A_211, %swap3A_212], %swap3A_215 {strides = array<i32>} : memref<1x256x32xi32, #tpu.memory_space<vmem>>, vector<1x256x1xi32>,
    %gt3A_216 = vector.broadcast %broadcast_in_dim3A_209 : vector<256x1xi32> to vector<256x2048xi32>
    %gt3A_217 = arith.cmpi sgt, %iota3A, %gt3A_216 : vector<256x2048xi32>
    %jit3A_218 = arith.constant 2048 : i32
    %broadcast_in_dim3A_219 = vector.broadcast %jit3A_218 : i32 to vector<256x2048xi32>
    %select_n3A_220 = arith.select %gt3A_217, %select_n3A, %broadcast_in_dim3A_219 : vector<256x2048xi1>, vector<256x2048xi32>
    %reduce_min3A_221 = arith.constant dense<2147483647> : vector<256xi32>
    %reduce_min3A_222 = vector.multi_reduction <minsi>, %select_n3A_220, %reduce_min3A_221 [1] : vector<256x2048xi32> to vector<256xi32>
    %broadcast_in_dim3A_223 = vector.shape_cast %reduce_min3A_222 : vector<256xi32> to vector<256x1xi32>
    %swap3A_224 = arith.constant 0 : index
    %swap3A_225 = arith.constant 0 : index
    %swap3A_226 = arith.constant 15 : index
    %swap3A_227 = vector.load %arg3[%swap3A_224, %swap3A_225, %swap3A_226] : memref<1x256x32xi32, #tpu.memory_space<vmem>>, vector<1x256x1xi32>
    %swap3A_228 = vector.shape_cast %swap3A_227 : vector<1x256x1xi32> to vector<256x1xi32>
    %swap3A_229 = vector.shape_cast %broadcast_in_dim3A_223 : vector<256x1xi32> to vector<1x256x1xi32>
    tpu.vector_store %arg3[%swap3A_224, %swap3A_225, %swap3A_226], %swap3A_229 {strides = array<i32>} : memref<1x256x32xi32, #tpu.memory_space<vmem>>, vector<1x256x1xi32>,
    %gt3A_230 = vector.broadcast %broadcast_in_dim3A_223 : vector<256x1xi32> to vector<256x2048xi32>
    %gt3A_231 = arith.cmpi sgt, %iota3A, %gt3A_230 : vector<256x2048xi32>
    %jit3A_232 = arith.constant 2048 : i32
    %broadcast_in_dim3A_233 = vector.broadcast %jit3A_232 : i32 to vector<256x2048xi32>
    %select_n3A_234 = arith.select %gt3A_231, %select_n3A, %broadcast_in_dim3A_233 : vector<256x2048xi1>, vector<256x2048xi32>
    %reduce_min3A_235 = arith.constant dense<2147483647> : vector<256xi32>
    %reduce_min3A_236 = vector.multi_reduction <minsi>, %select_n3A_234, %reduce_min3A_235 [1] : vector<256x2048xi32> to vector<256xi32>
    %broadcast_in_dim3A_237 = vector.shape_cast %reduce_min3A_236 : vector<256xi32> to vector<256x1xi32>
    %swap3A_238 = arith.constant 0 : index
    %swap3A_239 = arith.constant 0 : index
    %swap3A_240 = arith.constant 16 : index
    %swap3A_241 = vector.load %arg3[%swap3A_238, %swap3A_239, %swap3A_240] : memref<1x256x32xi32, #tpu.memory_space<vmem>>, vector<1x256x1xi32>
    %swap3A_242 = vector.shape_cast %swap3A_241 : vector<1x256x1xi32> to vector<256x1xi32>
    %swap3A_243 = vector.shape_cast %broadcast_in_dim3A_237 : vector<256x1xi32> to vector<1x256x1xi32>
    tpu.vector_store %arg3[%swap3A_238, %swap3A_239, %swap3A_240], %swap3A_243 {strides = array<i32>} : memref<1x256x32xi32, #tpu.memory_space<vmem>>, vector<1x256x1xi32>,
    %gt3A_244 = vector.broadcast %broadcast_in_dim3A_237 : vector<256x1xi32> to vector<256x2048xi32>
    %gt3A_245 = arith.cmpi sgt, %iota3A, %gt3A_244 : vector<256x2048xi32>
    %jit3A_246 = arith.constant 2048 : i32
    %broadcast_in_dim3A_247 = vector.broadcast %jit3A_246 : i32 to vector<256x2048xi32>
    %select_n3A_248 = arith.select %gt3A_245, %select_n3A, %broadcast_in_dim3A_247 : vector<256x2048xi1>, vector<256x2048xi32>
    %reduce_min3A_249 = arith.constant dense<2147483647> : vector<256xi32>
    %reduce_min3A_250 = vector.multi_reduction <minsi>, %select_n3A_248, %reduce_min3A_249 [1] : vector<256x2048xi32> to vector<256xi32>
    %broadcast_in_dim3A_251 = vector.shape_cast %reduce_min3A_250 : vector<256xi32> to vector<256x1xi32>
    %swap3A_252 = arith.constant 0 : index
    %swap3A_253 = arith.constant 0 : index
    %swap3A_254 = arith.constant 17 : index
    %swap3A_255 = vector.load %arg3[%swap3A_252, %swap3A_253, %swap3A_254] : memref<1x256x32xi32, #tpu.memory_space<vmem>>, vector<1x256x1xi32>
    %swap3A_256 = vector.shape_cast %swap3A_255 : vector<1x256x1xi32> to vector<256x1xi32>
    %swap3A_257 = vector.shape_cast %broadcast_in_dim3A_251 : vector<256x1xi32> to vector<1x256x1xi32>
    tpu.vector_store %arg3[%swap3A_252, %swap3A_253, %swap3A_254], %swap3A_257 {strides = array<i32>} : memref<1x256x32xi32, #tpu.memory_space<vmem>>, vector<1x256x1xi32>,
    %gt3A_258 = vector.broadcast %broadcast_in_dim3A_251 : vector<256x1xi32> to vector<256x2048xi32>
    %gt3A_259 = arith.cmpi sgt, %iota3A, %gt3A_258 : vector<256x2048xi32>
    %jit3A_260 = arith.constant 2048 : i32
    %broadcast_in_dim3A_261 = vector.broadcast %jit3A_260 : i32 to vector<256x2048xi32>
    %select_n3A_262 = arith.select %gt3A_259, %select_n3A, %broadcast_in_dim3A_261 : vector<256x2048xi1>, vector<256x2048xi32>
    %reduce_min3A_263 = arith.constant dense<2147483647> : vector<256xi32>
    %reduce_min3A_264 = vector.multi_reduction <minsi>, %select_n3A_262, %reduce_min3A_263 [1] : vector<256x2048xi32> to vector<256xi32>
    %broadcast_in_dim3A_265 = vector.shape_cast %reduce_min3A_264 : vector<256xi32> to vector<256x1xi32>
    %swap3A_266 = arith.constant 0 : index
    %swap3A_267 = arith.constant 0 : index
    %swap3A_268 = arith.constant 18 : index
    %swap3A_269 = vector.load %arg3[%swap3A_266, %swap3A_267, %swap3A_268] : memref<1x256x32xi32, #tpu.memory_space<vmem>>, vector<1x256x1xi32>
    %swap3A_270 = vector.shape_cast %swap3A_269 : vector<1x256x1xi32> to vector<256x1xi32>
    %swap3A_271 = vector.shape_cast %broadcast_in_dim3A_265 : vector<256x1xi32> to vector<1x256x1xi32>
    tpu.vector_store %arg3[%swap3A_266, %swap3A_267, %swap3A_268], %swap3A_271 {strides = array<i32>} : memref<1x256x32xi32, #tpu.memory_space<vmem>>, vector<1x256x1xi32>,
    %gt3A_272 = vector.broadcast %broadcast_in_dim3A_265 : vector<256x1xi32> to vector<256x2048xi32>
    %gt3A_273 = arith.cmpi sgt, %iota3A, %gt3A_272 : vector<256x2048xi32>
    %jit3A_274 = arith.constant 2048 : i32
    %broadcast_in_dim3A_275 = vector.broadcast %jit3A_274 : i32 to vector<256x2048xi32>
    %select_n3A_276 = arith.select %gt3A_273, %select_n3A, %broadcast_in_dim3A_275 : vector<256x2048xi1>, vector<256x2048xi32>
    %reduce_min3A_277 = arith.constant dense<2147483647> : vector<256xi32>
    %reduce_min3A_278 = vector.multi_reduction <minsi>, %select_n3A_276, %reduce_min3A_277 [1] : vector<256x2048xi32> to vector<256xi32>
    %broadcast_in_dim3A_279 = vector.shape_cast %reduce_min3A_278 : vector<256xi32> to vector<256x1xi32>
    %swap3A_280 = arith.constant 0 : index
    %swap3A_281 = arith.constant 0 : index
    %swap3A_282 = arith.constant 19 : index
    %swap3A_283 = vector.load %arg3[%swap3A_280, %swap3A_281, %swap3A_282] : memref<1x256x32xi32, #tpu.memory_space<vmem>>, vector<1x256x1xi32>
    %swap3A_284 = vector.shape_cast %swap3A_283 : vector<1x256x1xi32> to vector<256x1xi32>
    %swap3A_285 = vector.shape_cast %broadcast_in_dim3A_279 : vector<256x1xi32> to vector<1x256x1xi32>
    tpu.vector_store %arg3[%swap3A_280, %swap3A_281, %swap3A_282], %swap3A_285 {strides = array<i32>} : memref<1x256x32xi32, #tpu.memory_space<vmem>>, vector<1x256x1xi32>,
    %gt3A_286 = vector.broadcast %broadcast_in_dim3A_279 : vector<256x1xi32> to vector<256x2048xi32>
    %gt3A_287 = arith.cmpi sgt, %iota3A, %gt3A_286 : vector<256x2048xi32>
    %jit3A_288 = arith.constant 2048 : i32
    %broadcast_in_dim3A_289 = vector.broadcast %jit3A_288 : i32 to vector<256x2048xi32>
    %select_n3A_290 = arith.select %gt3A_287, %select_n3A, %broadcast_in_dim3A_289 : vector<256x2048xi1>, vector<256x2048xi32>
    %reduce_min3A_291 = arith.constant dense<2147483647> : vector<256xi32>
    %reduce_min3A_292 = vector.multi_reduction <minsi>, %select_n3A_290, %reduce_min3A_291 [1] : vector<256x2048xi32> to vector<256xi32>
    %broadcast_in_dim3A_293 = vector.shape_cast %reduce_min3A_292 : vector<256xi32> to vector<256x1xi32>
    %swap3A_294 = arith.constant 0 : index
    %swap3A_295 = arith.constant 0 : index
    %swap3A_296 = arith.constant 20 : index
    %swap3A_297 = vector.load %arg3[%swap3A_294, %swap3A_295, %swap3A_296] : memref<1x256x32xi32, #tpu.memory_space<vmem>>, vector<1x256x1xi32>
    %swap3A_298 = vector.shape_cast %swap3A_297 : vector<1x256x1xi32> to vector<256x1xi32>
    %swap3A_299 = vector.shape_cast %broadcast_in_dim3A_293 : vector<256x1xi32> to vector<1x256x1xi32>
    tpu.vector_store %arg3[%swap3A_294, %swap3A_295, %swap3A_296], %swap3A_299 {strides = array<i32>} : memref<1x256x32xi32, #tpu.memory_space<vmem>>, vector<1x256x1xi32>,
    %gt3A_300 = vector.broadcast %broadcast_in_dim3A_293 : vector<256x1xi32> to vector<256x2048xi32>
    %gt3A_301 = arith.cmpi sgt, %iota3A, %gt3A_300 : vector<256x2048xi32>
    %jit3A_302 = arith.constant 2048 : i32
    %broadcast_in_dim3A_303 = vector.broadcast %jit3A_302 : i32 to vector<256x2048xi32>
    %select_n3A_304 = arith.select %gt3A_301, %select_n3A, %broadcast_in_dim3A_303 : vector<256x2048xi1>, vector<256x2048xi32>
    %reduce_min3A_305 = arith.constant dense<2147483647> : vector<256xi32>
    %reduce_min3A_306 = vector.multi_reduction <minsi>, %select_n3A_304, %reduce_min3A_305 [1] : vector<256x2048xi32> to vector<256xi32>
    %broadcast_in_dim3A_307 = vector.shape_cast %reduce_min3A_306 : vector<256xi32> to vector<256x1xi32>
    %swap3A_308 = arith.constant 0 : index
    %swap3A_309 = arith.constant 0 : index
    %swap3A_310 = arith.constant 21 : index
    %swap3A_311 = vector.load %arg3[%swap3A_308, %swap3A_309, %swap3A_310] : memref<1x256x32xi32, #tpu.memory_space<vmem>>, vector<1x256x1xi32>
    %swap3A_312 = vector.shape_cast %swap3A_311 : vector<1x256x1xi32> to vector<256x1xi32>
    %swap3A_313 = vector.shape_cast %broadcast_in_dim3A_307 : vector<256x1xi32> to vector<1x256x1xi32>
    tpu.vector_store %arg3[%swap3A_308, %swap3A_309, %swap3A_310], %swap3A_313 {strides = array<i32>} : memref<1x256x32xi32, #tpu.memory_space<vmem>>, vector<1x256x1xi32>,
    %gt3A_314 = vector.broadcast %broadcast_in_dim3A_307 : vector<256x1xi32> to vector<256x2048xi32>
    %gt3A_315 = arith.cmpi sgt, %iota3A, %gt3A_314 : vector<256x2048xi32>
    %jit3A_316 = arith.constant 2048 : i32
    %broadcast_in_dim3A_317 = vector.broadcast %jit3A_316 : i32 to vector<256x2048xi32>
    %select_n3A_318 = arith.select %gt3A_315, %select_n3A, %broadcast_in_dim3A_317 : vector<256x2048xi1>, vector<256x2048xi32>
    %reduce_min3A_319 = arith.constant dense<2147483647> : vector<256xi32>
    %reduce_min3A_320 = vector.multi_reduction <minsi>, %select_n3A_318, %reduce_min3A_319 [1] : vector<256x2048xi32> to vector<256xi32>
    %broadcast_in_dim3A_321 = vector.shape_cast %reduce_min3A_320 : vector<256xi32> to vector<256x1xi32>
    %swap3A_322 = arith.constant 0 : index
    %swap3A_323 = arith.constant 0 : index
    %swap3A_324 = arith.constant 22 : index
    %swap3A_325 = vector.load %arg3[%swap3A_322, %swap3A_323, %swap3A_324] : memref<1x256x32xi32, #tpu.memory_space<vmem>>, vector<1x256x1xi32>
    %swap3A_326 = vector.shape_cast %swap3A_325 : vector<1x256x1xi32> to vector<256x1xi32>
    %swap3A_327 = vector.shape_cast %broadcast_in_dim3A_321 : vector<256x1xi32> to vector<1x256x1xi32>
    tpu.vector_store %arg3[%swap3A_322, %swap3A_323, %swap3A_324], %swap3A_327 {strides = array<i32>} : memref<1x256x32xi32, #tpu.memory_space<vmem>>, vector<1x256x1xi32>,
    %gt3A_328 = vector.broadcast %broadcast_in_dim3A_321 : vector<256x1xi32> to vector<256x2048xi32>
    %gt3A_329 = arith.cmpi sgt, %iota3A, %gt3A_328 : vector<256x2048xi32>
    %jit3A_330 = arith.constant 2048 : i32
    %broadcast_in_dim3A_331 = vector.broadcast %jit3A_330 : i32 to vector<256x2048xi32>
    %select_n3A_332 = arith.select %gt3A_329, %select_n3A, %broadcast_in_dim3A_331 : vector<256x2048xi1>, vector<256x2048xi32>
    %reduce_min3A_333 = arith.constant dense<2147483647> : vector<256xi32>
    %reduce_min3A_334 = vector.multi_reduction <minsi>, %select_n3A_332, %reduce_min3A_333 [1] : vector<256x2048xi32> to vector<256xi32>
    %broadcast_in_dim3A_335 = vector.shape_cast %reduce_min3A_334 : vector<256xi32> to vector<256x1xi32>
    %swap3A_336 = arith.constant 0 : index
    %swap3A_337 = arith.constant 0 : index
    %swap3A_338 = arith.constant 23 : index
    %swap3A_339 = vector.load %arg3[%swap3A_336, %swap3A_337, %swap3A_338] : memref<1x256x32xi32, #tpu.memory_space<vmem>>, vector<1x256x1xi32>
    %swap3A_340 = vector.shape_cast %swap3A_339 : vector<1x256x1xi32> to vector<256x1xi32>
    %swap3A_341 = vector.shape_cast %broadcast_in_dim3A_335 : vector<256x1xi32> to vector<1x256x1xi32>
    tpu.vector_store %arg3[%swap3A_336, %swap3A_337, %swap3A_338], %swap3A_341 {strides = array<i32>} : memref<1x256x32xi32, #tpu.memory_space<vmem>>, vector<1x256x1xi32>,
    %gt3A_342 = vector.broadcast %broadcast_in_dim3A_335 : vector<256x1xi32> to vector<256x2048xi32>
    %gt3A_343 = arith.cmpi sgt, %iota3A, %gt3A_342 : vector<256x2048xi32>
    %jit3A_344 = arith.constant 2048 : i32
    %broadcast_in_dim3A_345 = vector.broadcast %jit3A_344 : i32 to vector<256x2048xi32>
    %select_n3A_346 = arith.select %gt3A_343, %select_n3A, %broadcast_in_dim3A_345 : vector<256x2048xi1>, vector<256x2048xi32>
    %reduce_min3A_347 = arith.constant dense<2147483647> : vector<256xi32>
    %reduce_min3A_348 = vector.multi_reduction <minsi>, %select_n3A_346, %reduce_min3A_347 [1] : vector<256x2048xi32> to vector<256xi32>
    %broadcast_in_dim3A_349 = vector.shape_cast %reduce_min3A_348 : vector<256xi32> to vector<256x1xi32>
    %swap3A_350 = arith.constant 0 : index
    %swap3A_351 = arith.constant 0 : index
    %swap3A_352 = arith.constant 24 : index
    %swap3A_353 = vector.load %arg3[%swap3A_350, %swap3A_351, %swap3A_352] : memref<1x256x32xi32, #tpu.memory_space<vmem>>, vector<1x256x1xi32>
    %swap3A_354 = vector.shape_cast %swap3A_353 : vector<1x256x1xi32> to vector<256x1xi32>
    %swap3A_355 = vector.shape_cast %broadcast_in_dim3A_349 : vector<256x1xi32> to vector<1x256x1xi32>
    tpu.vector_store %arg3[%swap3A_350, %swap3A_351, %swap3A_352], %swap3A_355 {strides = array<i32>} : memref<1x256x32xi32, #tpu.memory_space<vmem>>, vector<1x256x1xi32>,
    %gt3A_356 = vector.broadcast %broadcast_in_dim3A_349 : vector<256x1xi32> to vector<256x2048xi32>
    %gt3A_357 = arith.cmpi sgt, %iota3A, %gt3A_356 : vector<256x2048xi32>
    %jit3A_358 = arith.constant 2048 : i32
    %broadcast_in_dim3A_359 = vector.broadcast %jit3A_358 : i32 to vector<256x2048xi32>
    %select_n3A_360 = arith.select %gt3A_357, %select_n3A, %broadcast_in_dim3A_359 : vector<256x2048xi1>, vector<256x2048xi32>
    %reduce_min3A_361 = arith.constant dense<2147483647> : vector<256xi32>
    %reduce_min3A_362 = vector.multi_reduction <minsi>, %select_n3A_360, %reduce_min3A_361 [1] : vector<256x2048xi32> to vector<256xi32>
    %broadcast_in_dim3A_363 = vector.shape_cast %reduce_min3A_362 : vector<256xi32> to vector<256x1xi32>
    %swap3A_364 = arith.constant 0 : index
    %swap3A_365 = arith.constant 0 : index
    %swap3A_366 = arith.constant 25 : index
    %swap3A_367 = vector.load %arg3[%swap3A_364, %swap3A_365, %swap3A_366] : memref<1x256x32xi32, #tpu.memory_space<vmem>>, vector<1x256x1xi32>
    %swap3A_368 = vector.shape_cast %swap3A_367 : vector<1x256x1xi32> to vector<256x1xi32>
    %swap3A_369 = vector.shape_cast %broadcast_in_dim3A_363 : vector<256x1xi32> to vector<1x256x1xi32>
    tpu.vector_store %arg3[%swap3A_364, %swap3A_365, %swap3A_366], %swap3A_369 {strides = array<i32>} : memref<1x256x32xi32, #tpu.memory_space<vmem>>, vector<1x256x1xi32>,
    %gt3A_370 = vector.broadcast %broadcast_in_dim3A_363 : vector<256x1xi32> to vector<256x2048xi32>
    %gt3A_371 = arith.cmpi sgt, %iota3A, %gt3A_370 : vector<256x2048xi32>
    %jit3A_372 = arith.constant 2048 : i32
    %broadcast_in_dim3A_373 = vector.broadcast %jit3A_372 : i32 to vector<256x2048xi32>
    %select_n3A_374 = arith.select %gt3A_371, %select_n3A, %broadcast_in_dim3A_373 : vector<256x2048xi1>, vector<256x2048xi32>
    %reduce_min3A_375 = arith.constant dense<2147483647> : vector<256xi32>
    %reduce_min3A_376 = vector.multi_reduction <minsi>, %select_n3A_374, %reduce_min3A_375 [1] : vector<256x2048xi32> to vector<256xi32>
    %broadcast_in_dim3A_377 = vector.shape_cast %reduce_min3A_376 : vector<256xi32> to vector<256x1xi32>
    %swap3A_378 = arith.constant 0 : index
    %swap3A_379 = arith.constant 0 : index
    %swap3A_380 = arith.constant 26 : index
    %swap3A_381 = vector.load %arg3[%swap3A_378, %swap3A_379, %swap3A_380] : memref<1x256x32xi32, #tpu.memory_space<vmem>>, vector<1x256x1xi32>
    %swap3A_382 = vector.shape_cast %swap3A_381 : vector<1x256x1xi32> to vector<256x1xi32>
    %swap3A_383 = vector.shape_cast %broadcast_in_dim3A_377 : vector<256x1xi32> to vector<1x256x1xi32>
    tpu.vector_store %arg3[%swap3A_378, %swap3A_379, %swap3A_380], %swap3A_383 {strides = array<i32>} : memref<1x256x32xi32, #tpu.memory_space<vmem>>, vector<1x256x1xi32>,
    %gt3A_384 = vector.broadcast %broadcast_in_dim3A_377 : vector<256x1xi32> to vector<256x2048xi32>
    %gt3A_385 = arith.cmpi sgt, %iota3A, %gt3A_384 : vector<256x2048xi32>
    %jit3A_386 = arith.constant 2048 : i32
    %broadcast_in_dim3A_387 = vector.broadcast %jit3A_386 : i32 to vector<256x2048xi32>
    %select_n3A_388 = arith.select %gt3A_385, %select_n3A, %broadcast_in_dim3A_387 : vector<256x2048xi1>, vector<256x2048xi32>
    %reduce_min3A_389 = arith.constant dense<2147483647> : vector<256xi32>
    %reduce_min3A_390 = vector.multi_reduction <minsi>, %select_n3A_388, %reduce_min3A_389 [1] : vector<256x2048xi32> to vector<256xi32>
    %broadcast_in_dim3A_391 = vector.shape_cast %reduce_min3A_390 : vector<256xi32> to vector<256x1xi32>
    %swap3A_392 = arith.constant 0 : index
    %swap3A_393 = arith.constant 0 : index
    %swap3A_394 = arith.constant 27 : index
    %swap3A_395 = vector.load %arg3[%swap3A_392, %swap3A_393, %swap3A_394] : memref<1x256x32xi32, #tpu.memory_space<vmem>>, vector<1x256x1xi32>
    %swap3A_396 = vector.shape_cast %swap3A_395 : vector<1x256x1xi32> to vector<256x1xi32>
    %swap3A_397 = vector.shape_cast %broadcast_in_dim3A_391 : vector<256x1xi32> to vector<1x256x1xi32>
    tpu.vector_store %arg3[%swap3A_392, %swap3A_393, %swap3A_394], %swap3A_397 {strides = array<i32>} : memref<1x256x32xi32, #tpu.memory_space<vmem>>, vector<1x256x1xi32>,
    %gt3A_398 = vector.broadcast %broadcast_in_dim3A_391 : vector<256x1xi32> to vector<256x2048xi32>
    %gt3A_399 = arith.cmpi sgt, %iota3A, %gt3A_398 : vector<256x2048xi32>
    %jit3A_400 = arith.constant 2048 : i32
    %broadcast_in_dim3A_401 = vector.broadcast %jit3A_400 : i32 to vector<256x2048xi32>
    %select_n3A_402 = arith.select %gt3A_399, %select_n3A, %broadcast_in_dim3A_401 : vector<256x2048xi1>, vector<256x2048xi32>
    %reduce_min3A_403 = arith.constant dense<2147483647> : vector<256xi32>
    %reduce_min3A_404 = vector.multi_reduction <minsi>, %select_n3A_402, %reduce_min3A_403 [1] : vector<256x2048xi32> to vector<256xi32>
    %broadcast_in_dim3A_405 = vector.shape_cast %reduce_min3A_404 : vector<256xi32> to vector<256x1xi32>
    %swap3A_406 = arith.constant 0 : index
    %swap3A_407 = arith.constant 0 : index
    %swap3A_408 = arith.constant 28 : index
    %swap3A_409 = vector.load %arg3[%swap3A_406, %swap3A_407, %swap3A_408] : memref<1x256x32xi32, #tpu.memory_space<vmem>>, vector<1x256x1xi32>
    %swap3A_410 = vector.shape_cast %swap3A_409 : vector<1x256x1xi32> to vector<256x1xi32>
    %swap3A_411 = vector.shape_cast %broadcast_in_dim3A_405 : vector<256x1xi32> to vector<1x256x1xi32>
    tpu.vector_store %arg3[%swap3A_406, %swap3A_407, %swap3A_408], %swap3A_411 {strides = array<i32>} : memref<1x256x32xi32, #tpu.memory_space<vmem>>, vector<1x256x1xi32>,
    %gt3A_412 = vector.broadcast %broadcast_in_dim3A_405 : vector<256x1xi32> to vector<256x2048xi32>
    %gt3A_413 = arith.cmpi sgt, %iota3A, %gt3A_412 : vector<256x2048xi32>
    %jit3A_414 = arith.constant 2048 : i32
    %broadcast_in_dim3A_415 = vector.broadcast %jit3A_414 : i32 to vector<256x2048xi32>
    %select_n3A_416 = arith.select %gt3A_413, %select_n3A, %broadcast_in_dim3A_415 : vector<256x2048xi1>, vector<256x2048xi32>
    %reduce_min3A_417 = arith.constant dense<2147483647> : vector<256xi32>
    %reduce_min3A_418 = vector.multi_reduction <minsi>, %select_n3A_416, %reduce_min3A_417 [1] : vector<256x2048xi32> to vector<256xi32>
    %broadcast_in_dim3A_419 = vector.shape_cast %reduce_min3A_418 : vector<256xi32> to vector<256x1xi32>
    %swap3A_420 = arith.constant 0 : index
    %swap3A_421 = arith.constant 0 : index
    %swap3A_422 = arith.constant 29 : index
    %swap3A_423 = vector.load %arg3[%swap3A_420, %swap3A_421, %swap3A_422] : memref<1x256x32xi32, #tpu.memory_space<vmem>>, vector<1x256x1xi32>
    %swap3A_424 = vector.shape_cast %swap3A_423 : vector<1x256x1xi32> to vector<256x1xi32>
    %swap3A_425 = vector.shape_cast %broadcast_in_dim3A_419 : vector<256x1xi32> to vector<1x256x1xi32>
    tpu.vector_store %arg3[%swap3A_420, %swap3A_421, %swap3A_422], %swap3A_425 {strides = array<i32>} : memref<1x256x32xi32, #tpu.memory_space<vmem>>, vector<1x256x1xi32>,
    %gt3A_426 = vector.broadcast %broadcast_in_dim3A_419 : vector<256x1xi32> to vector<256x2048xi32>
    %gt3A_427 = arith.cmpi sgt, %iota3A, %gt3A_426 : vector<256x2048xi32>
    %jit3A_428 = arith.constant 2048 : i32
    %broadcast_in_dim3A_429 = vector.broadcast %jit3A_428 : i32 to vector<256x2048xi32>
    %select_n3A_430 = arith.select %gt3A_427, %select_n3A, %broadcast_in_dim3A_429 : vector<256x2048xi1>, vector<256x2048xi32>
    %reduce_min3A_431 = arith.constant dense<2147483647> : vector<256xi32>
    %reduce_min3A_432 = vector.multi_reduction <minsi>, %select_n3A_430, %reduce_min3A_431 [1] : vector<256x2048xi32> to vector<256xi32>
    %broadcast_in_dim3A_433 = vector.shape_cast %reduce_min3A_432 : vector<256xi32> to vector<256x1xi32>
    %swap3A_434 = arith.constant 0 : index
    %swap3A_435 = arith.constant 0 : index
    %swap3A_436 = arith.constant 30 : index
    %swap3A_437 = vector.load %arg3[%swap3A_434, %swap3A_435, %swap3A_436] : memref<1x256x32xi32, #tpu.memory_space<vmem>>, vector<1x256x1xi32>
    %swap3A_438 = vector.shape_cast %swap3A_437 : vector<1x256x1xi32> to vector<256x1xi32>
    %swap3A_439 = vector.shape_cast %broadcast_in_dim3A_433 : vector<256x1xi32> to vector<1x256x1xi32>
    tpu.vector_store %arg3[%swap3A_434, %swap3A_435, %swap3A_436], %swap3A_439 {strides = array<i32>} : memref<1x256x32xi32, #tpu.memory_space<vmem>>, vector<1x256x1xi32>,
    %gt3A_440 = vector.broadcast %broadcast_in_dim3A_433 : vector<256x1xi32> to vector<256x2048xi32>
    %gt3A_441 = arith.cmpi sgt, %iota3A, %gt3A_440 : vector<256x2048xi32>
    %jit3A_442 = arith.constant 2048 : i32
    %broadcast_in_dim3A_443 = vector.broadcast %jit3A_442 : i32 to vector<256x2048xi32>
    %select_n3A_444 = arith.select %gt3A_441, %select_n3A, %broadcast_in_dim3A_443 : vector<256x2048xi1>, vector<256x2048xi32>
    %reduce_min3A_445 = arith.constant dense<2147483647> : vector<256xi32>
    %reduce_min3A_446 = vector.multi_reduction <minsi>, %select_n3A_444, %reduce_min3A_445 [1] : vector<256x2048xi32> to vector<256xi32>
    %broadcast_in_dim3A_447 = vector.shape_cast %reduce_min3A_446 : vector<256xi32> to vector<256x1xi32>
    %swap3A_448 = arith.constant 0 : index
    %swap3A_449 = arith.constant 0 : index
    %swap3A_450 = arith.constant 31 : index
    %swap3A_451 = vector.load %arg3[%swap3A_448, %swap3A_449, %swap3A_450] : memref<1x256x32xi32, #tpu.memory_space<vmem>>, vector<1x256x1xi32>
    %swap3A_452 = vector.shape_cast %swap3A_451 : vector<1x256x1xi32> to vector<256x1xi32>
    %swap3A_453 = vector.shape_cast %broadcast_in_dim3A_447 : vector<256x1xi32> to vector<1x256x1xi32>
    tpu.vector_store %arg3[%swap3A_448, %swap3A_449, %swap3A_450], %swap3A_453 {strides = array<i32>} : memref<1x256x32xi32, #tpu.memory_space<vmem>>, vector<1x256x1xi32>,
    %get3A_454 = arith.constant 0 : index
    %get3A_455 = arith.constant 0 : index
    %get3A_456 = arith.constant 0 : index
    %get3A_457 = vector.load %arg3[%get3A_454, %get3A_455, %get3A_456] : memref<1x256x32xi32, #tpu.memory_space<vmem>>, vector<1x256x32xi32>
    %get3A_458 = vector.shape_cast %get3A_457 : vector<1x256x32xi32> to vector<256x32xi32>
    %eq3A = arith.constant 2048 : i32
    %eq3A_459 = vector.broadcast %eq3A : i32 to vector<256x32xi32>
    %eq3A_460 = arith.cmpi eq, %get3A_458, %eq3A_459 : vector<256x32xi32>
    %slice3A = vector.extract_strided_slice %get3A_458 {offsets = [0, 0], sizes = [256, 1], strides = [1, 1]} : vector<256x32xi32> to vector<256x1xi32>
    %broadcast_in_dim3A_461 = vector.shape_cast %slice3A : vector<256x1xi32> to vector<256x1xi32>
    %broadcast_in_dim3A_462 = vector.broadcast %broadcast_in_dim3A_461 : vector<256x1xi32> to vector<256x32xi32>
    %select_n3A_463 = arith.select %eq3A_460, %broadcast_in_dim3A_462, %get3A_458 : vector<256x32xi1>, vector<256x32xi32>
    %swap3A_464 = arith.constant 0 : index
    %swap3A_465 = arith.constant 0 : index
    %swap3A_466 = arith.constant 0 : index
    %swap3A_467 = vector.load %arg3[%swap3A_464, %swap3A_465, %swap3A_466] : memref<1x256x32xi32, #tpu.memory_space<vmem>>, vector<1x256x32xi32>
    %swap3A_468 = vector.shape_cast %swap3A_467 : vector<1x256x32xi32> to vector<256x32xi32>
    %swap3A_469 = vector.shape_cast %select_n3A_463 : vector<256x32xi32> to vector<1x256x32xi32>
    tpu.vector_store %arg3[%swap3A_464, %swap3A_465, %swap3A_466], %swap3A_469 {strides = array<i32>} : memref<1x256x32xi32, #tpu.memory_space<vmem>>, vector<1x256x32xi32>,
    return
  }
  func.func @transform_0(%arg0: i32, %arg1: i32) -> (i32, i32, i32) {
    %c0_i32 = arith.constant 0 : i32
    %c0_i32_0 = arith.constant 0 : i32
    return %arg0, %arg1, %c0_i32 : i32, i32, i32
  }
  func.func @transform_1(%arg0: i32, %arg1: i32) -> (i32, i32, i32) {
    %c0_i32 = arith.constant 0 : i32
    %c0_i32_0 = arith.constant 0 : i32
    return %arg0, %arg1, %c0_i32 : i32, i32, i32
  }
}

module attributes {stable_mosaic.version = 14 : i64} {
  func.func @_head_body(%arg0: i32, %arg1: memref<1x1024x1024xf32, #tpu.memory_space<vmem>>, %arg2: memref<1x512x1xi32, #tpu.memory_space<vmem>>, %arg3: memref<1x1024x3xf32, #tpu.memory_space<vmem>>, %arg4: memref<1x1024x3xf32, #tpu.memory_space<vmem>>, %arg5: memref<1x1x2048xf32, #tpu.memory_space<vmem>>, %arg6: memref<1x512x3xf32, #tpu.memory_space<vmem>>, %arg7: memref<1x512x3xf32, #tpu.memory_space<vmem>>, %arg8: memref<1x512x1xf32, #tpu.memory_space<vmem>>) attributes {dimension_semantics = [#tpu.dimension_semantics<arbitrary>], iteration_bounds = array<i64: 4>, scalar_prefetch = 0 : i64, scratch_operands = 0 : i64, tpu.core_type = #tpu.core_type<tc>, window_params = [{transform_indices = @transform_0, window_bounds = array<i64: 1, 1024, 1024>}, {transform_indices = @transform_1, window_bounds = array<i64: 1, 512, 1>}, {transform_indices = @transform_2, window_bounds = array<i64: 1, 1024, 3>}, {transform_indices = @transform_3, window_bounds = array<i64: 1, 1024, 3>}, {transform_indices = @transform_4, window_bounds = array<i64: 1, 1, 2048>}, {transform_indices = @transform_5, window_bounds = array<i64: 1, 512, 3>}, {transform_indices = @transform_6, window_bounds = array<i64: 1, 512, 3>}, {transform_indices = @transform_7, window_bounds = array<i64: 1, 512, 1>}]} {
    %get3A = arith.constant 0 : index
    %get3A_0 = arith.constant 0 : index
    %get3A_1 = arith.constant 0 : index
    %get3A_2 = vector.load %arg1[%get3A, %get3A_0, %get3A_1] : memref<1x1024x1024xf32, #tpu.memory_space<vmem>>, vector<1x1024x1024xf32>
    %get3A_3 = vector.shape_cast %get3A_2 : vector<1x1024x1024xf32> to vector<1024x1024xf32>
    %get3A_4 = arith.constant 0 : index
    %get3A_5 = arith.constant 0 : index
    %get3A_6 = arith.constant 0 : index
    %get3A_7 = vector.load %arg2[%get3A_4, %get3A_5, %get3A_6] : memref<1x512x1xi32, #tpu.memory_space<vmem>>, vector<1x512x1xi32>
    %get3A_8 = vector.shape_cast %get3A_7 : vector<1x512x1xi32> to vector<512x1xi32>
    %iota3A = tpu.iota {dimensions = array<i32: 1>} : vector<512x1024xi32>
    %eq3A = vector.broadcast %get3A_8 : vector<512x1xi32> to vector<512x1024xi32>
    %eq3A_9 = arith.cmpi eq, %iota3A, %eq3A : vector<512x1024xi32>
    %convert_element_type3A = arith.extui %eq3A_9 : vector<512x1024xi1> to vector<512x1024xi32>
    %convert_element_type3A_10 = arith.sitofp %convert_element_type3A : vector<512x1024xi32> to vector<512x1024xf32>
    %dot_general3A = arith.constant dense<0.000000e+00> : vector<512x1024xf32>
    %dot_general3A_11 = tpu.matmul %convert_element_type3A_10, %get3A_3, %dot_general3A {dimension_numbers = #tpu.dot_dimension_numbers<[1], [0], [0], [1], [0, 0, 1, 1], [], []>, precision = #tpu.contract_precision<fp32>, transpose_lhs_hint = false} : vector<512x1024xf32>, vector<1024x1024xf32>, vector<512x1024xf32> -> vector<512x1024xf32>
    %get3A_12 = arith.constant 0 : index
    %get3A_13 = arith.constant 0 : index
    %get3A_14 = arith.constant 0 : index
    %get3A_15 = vector.load %arg4[%get3A_12, %get3A_13, %get3A_14] : memref<1x1024x3xf32, #tpu.memory_space<vmem>>, vector<1x1024x3xf32>
    %get3A_16 = vector.shape_cast %get3A_15 : vector<1x1024x3xf32> to vector<1024x3xf32>
    %dot_general3A_17 = arith.constant dense<0.000000e+00> : vector<512x3xf32>
    %dot_general3A_18 = tpu.matmul %convert_element_type3A_10, %get3A_16, %dot_general3A_17 {dimension_numbers = #tpu.dot_dimension_numbers<[1], [0], [0], [1], [0, 0, 1, 1], [], []>, precision = #tpu.contract_precision<fp32>, transpose_lhs_hint = false} : vector<512x1024xf32>, vector<1024x3xf32>, vector<512x3xf32> -> vector<512x3xf32>
    %swap3A = arith.constant 0 : index
    %swap3A_19 = arith.constant 0 : index
    %swap3A_20 = arith.constant 0 : index
    %swap3A_21 = vector.load %arg6[%swap3A, %swap3A_19, %swap3A_20] : memref<1x512x3xf32, #tpu.memory_space<vmem>>, vector<1x512x3xf32>
    %swap3A_22 = vector.shape_cast %swap3A_21 : vector<1x512x3xf32> to vector<512x3xf32>
    %swap3A_23 = vector.shape_cast %dot_general3A_18 : vector<512x3xf32> to vector<1x512x3xf32>
    tpu.vector_store %arg6[%swap3A, %swap3A_19, %swap3A_20], %swap3A_23 {strides = array<i32>} : memref<1x512x3xf32, #tpu.memory_space<vmem>>, vector<1x512x3xf32>,
    %iota3A_24 = tpu.iota {dimensions = array<i32: 1>} : vector<512x2048xi32>
    %eq3A_25 = vector.broadcast %get3A_8 : vector<512x1xi32> to vector<512x2048xi32>
    %eq3A_26 = arith.cmpi eq, %iota3A_24, %eq3A_25 : vector<512x2048xi32>
    %get3A_27 = arith.constant 0 : index
    %get3A_28 = arith.constant 0 : index
    %get3A_29 = arith.constant 0 : index
    %get3A_30 = vector.load %arg5[%get3A_27, %get3A_28, %get3A_29] : memref<1x1x2048xf32, #tpu.memory_space<vmem>>, vector<1x1x2048xf32>
    %get3A_31 = vector.shape_cast %get3A_30 : vector<1x1x2048xf32> to vector<1x2048xf32>
    %jit3A = arith.constant 0.000000e+00 : f32
    %broadcast_in_dim3A = vector.shape_cast %get3A_31 : vector<1x2048xf32> to vector<1x2048xf32>
    %broadcast_in_dim3A_32 = vector.broadcast %broadcast_in_dim3A : vector<1x2048xf32> to vector<512x2048xf32>
    %broadcast_in_dim3A_33 = vector.broadcast %jit3A : f32 to vector<512x2048xf32>
    %select_n3A = arith.select %eq3A_26, %broadcast_in_dim3A_32, %broadcast_in_dim3A_33 : vector<512x2048xi1>, vector<512x2048xf32>
    %reduce_sum3A = arith.constant dense<0.000000e+00> : vector<512xf32>
    %reduce_sum3A_34 = vector.multi_reduction <add>, %select_n3A, %reduce_sum3A [1] : vector<512x2048xf32> to vector<512xf32>
    %broadcast_in_dim3A_35 = vector.shape_cast %reduce_sum3A_34 : vector<512xf32> to vector<512x1xf32>
    %swap3A_36 = arith.constant 0 : index
    %swap3A_37 = arith.constant 0 : index
    %swap3A_38 = arith.constant 0 : index
    %swap3A_39 = vector.load %arg8[%swap3A_36, %swap3A_37, %swap3A_38] : memref<1x512x1xf32, #tpu.memory_space<vmem>>, vector<1x512x1xf32>
    %swap3A_40 = vector.shape_cast %swap3A_39 : vector<1x512x1xf32> to vector<512x1xf32>
    %swap3A_41 = vector.shape_cast %broadcast_in_dim3A_35 : vector<512x1xf32> to vector<1x512x1xf32>
    tpu.vector_store %arg8[%swap3A_36, %swap3A_37, %swap3A_38], %swap3A_41 {strides = array<i32>} : memref<1x512x1xf32, #tpu.memory_space<vmem>>, vector<1x512x1xf32>,
    %broadcast_in_dim3A_42 = arith.constant 0.000000e+00 : f32
    %broadcast_in_dim3A_43 = vector.broadcast %broadcast_in_dim3A_42 : f32 to vector<512x1024xf32>
    %reduce_max3A = arith.constant dense<0xFF800000> : vector<512xf32>
    %reduce_max3A_44 = vector.multi_reduction <maximumf>, %dot_general3A_11, %reduce_max3A [1] : vector<512x1024xf32> to vector<512xf32>
    %broadcast_in_dim3A_45 = vector.shape_cast %reduce_max3A_44 : vector<512xf32> to vector<512x1xf32>
    %eq3A_46 = vector.broadcast %broadcast_in_dim3A_45 : vector<512x1xf32> to vector<512x1024xf32>
    %eq3A_47 = arith.cmpf oeq, %dot_general3A_11, %eq3A_46 : vector<512x1024xf32>
    %jit3A_48 = arith.constant 1024 : i32
    %broadcast_in_dim3A_49 = vector.broadcast %jit3A_48 : i32 to vector<512x1024xi32>
    %select_n3A_50 = arith.select %eq3A_47, %iota3A, %broadcast_in_dim3A_49 : vector<512x1024xi1>, vector<512x1024xi32>
    %reduce_min3A = arith.constant dense<2147483647> : vector<512xi32>
    %reduce_min3A_51 = vector.multi_reduction <minsi>, %select_n3A_50, %reduce_min3A [1] : vector<512x1024xi32> to vector<512xi32>
    %broadcast_in_dim3A_52 = vector.shape_cast %reduce_min3A_51 : vector<512xi32> to vector<512x1xi32>
    %eq3A_53 = vector.broadcast %broadcast_in_dim3A_52 : vector<512x1xi32> to vector<512x1024xi32>
    %eq3A_54 = arith.cmpi eq, %iota3A, %eq3A_53 : vector<512x1024xi32>
    %jit3A_55 = arith.constant 1.000000e+00 : f32
    %broadcast_in_dim3A_56 = vector.broadcast %jit3A_55 : f32 to vector<512x1024xf32>
    %select_n3A_57 = arith.select %eq3A_54, %broadcast_in_dim3A_56, %broadcast_in_dim3A_43 : vector<512x1024xi1>, vector<512x1024xf32>
    %jit3A_58 = arith.constant -3.40282347E+38 : f32
    %broadcast_in_dim3A_59 = vector.broadcast %jit3A_58 : f32 to vector<512x1024xf32>
    %select_n3A_60 = arith.select %eq3A_54, %broadcast_in_dim3A_59, %dot_general3A_11 : vector<512x1024xi1>, vector<512x1024xf32>
    %reduce_max3A_61 = arith.constant dense<0xFF800000> : vector<512xf32>
    %reduce_max3A_62 = vector.multi_reduction <maximumf>, %select_n3A_60, %reduce_max3A_61 [1] : vector<512x1024xf32> to vector<512xf32>
    %broadcast_in_dim3A_63 = vector.shape_cast %reduce_max3A_62 : vector<512xf32> to vector<512x1xf32>
    %eq3A_64 = vector.broadcast %broadcast_in_dim3A_63 : vector<512x1xf32> to vector<512x1024xf32>
    %eq3A_65 = arith.cmpf oeq, %select_n3A_60, %eq3A_64 : vector<512x1024xf32>
    %jit3A_66 = arith.constant 1024 : i32
    %broadcast_in_dim3A_67 = vector.broadcast %jit3A_66 : i32 to vector<512x1024xi32>
    %select_n3A_68 = arith.select %eq3A_65, %iota3A, %broadcast_in_dim3A_67 : vector<512x1024xi1>, vector<512x1024xi32>
    %reduce_min3A_69 = arith.constant dense<2147483647> : vector<512xi32>
    %reduce_min3A_70 = vector.multi_reduction <minsi>, %select_n3A_68, %reduce_min3A_69 [1] : vector<512x1024xi32> to vector<512xi32>
    %broadcast_in_dim3A_71 = vector.shape_cast %reduce_min3A_70 : vector<512xi32> to vector<512x1xi32>
    %eq3A_72 = vector.broadcast %broadcast_in_dim3A_71 : vector<512x1xi32> to vector<512x1024xi32>
    %eq3A_73 = arith.cmpi eq, %iota3A, %eq3A_72 : vector<512x1024xi32>
    %jit3A_74 = arith.constant 1.000000e+00 : f32
    %broadcast_in_dim3A_75 = vector.broadcast %jit3A_74 : f32 to vector<512x1024xf32>
    %select_n3A_76 = arith.select %eq3A_73, %broadcast_in_dim3A_75, %select_n3A_57 : vector<512x1024xi1>, vector<512x1024xf32>
    %jit3A_77 = arith.constant -3.40282347E+38 : f32
    %broadcast_in_dim3A_78 = vector.broadcast %jit3A_77 : f32 to vector<512x1024xf32>
    %select_n3A_79 = arith.select %eq3A_73, %broadcast_in_dim3A_78, %select_n3A_60 : vector<512x1024xi1>, vector<512x1024xf32>
    %reduce_max3A_80 = arith.constant dense<0xFF800000> : vector<512xf32>
    %reduce_max3A_81 = vector.multi_reduction <maximumf>, %select_n3A_79, %reduce_max3A_80 [1] : vector<512x1024xf32> to vector<512xf32>
    %broadcast_in_dim3A_82 = vector.shape_cast %reduce_max3A_81 : vector<512xf32> to vector<512x1xf32>
    %eq3A_83 = vector.broadcast %broadcast_in_dim3A_82 : vector<512x1xf32> to vector<512x1024xf32>
    %eq3A_84 = arith.cmpf oeq, %select_n3A_79, %eq3A_83 : vector<512x1024xf32>
    %jit3A_85 = arith.constant 1024 : i32
    %broadcast_in_dim3A_86 = vector.broadcast %jit3A_85 : i32 to vector<512x1024xi32>
    %select_n3A_87 = arith.select %eq3A_84, %iota3A, %broadcast_in_dim3A_86 : vector<512x1024xi1>, vector<512x1024xi32>
    %reduce_min3A_88 = arith.constant dense<2147483647> : vector<512xi32>
    %reduce_min3A_89 = vector.multi_reduction <minsi>, %select_n3A_87, %reduce_min3A_88 [1] : vector<512x1024xi32> to vector<512xi32>
    %broadcast_in_dim3A_90 = vector.shape_cast %reduce_min3A_89 : vector<512xi32> to vector<512x1xi32>
    %eq3A_91 = vector.broadcast %broadcast_in_dim3A_90 : vector<512x1xi32> to vector<512x1024xi32>
    %eq3A_92 = arith.cmpi eq, %iota3A, %eq3A_91 : vector<512x1024xi32>
    %jit3A_93 = arith.constant 1.000000e+00 : f32
    %broadcast_in_dim3A_94 = vector.broadcast %jit3A_93 : f32 to vector<512x1024xf32>
    %select_n3A_95 = arith.select %eq3A_92, %broadcast_in_dim3A_94, %select_n3A_76 : vector<512x1024xi1>, vector<512x1024xf32>
    %jit3A_96 = arith.constant -3.40282347E+38 : f32
    %broadcast_in_dim3A_97 = vector.broadcast %jit3A_96 : f32 to vector<512x1024xf32>
    %select_n3A_98 = arith.select %eq3A_92, %broadcast_in_dim3A_97, %select_n3A_79 : vector<512x1024xi1>, vector<512x1024xf32>
    %reduce_max3A_99 = arith.constant dense<0xFF800000> : vector<512xf32>
    %reduce_max3A_100 = vector.multi_reduction <maximumf>, %select_n3A_98, %reduce_max3A_99 [1] : vector<512x1024xf32> to vector<512xf32>
    %broadcast_in_dim3A_101 = vector.shape_cast %reduce_max3A_100 : vector<512xf32> to vector<512x1xf32>
    %eq3A_102 = vector.broadcast %broadcast_in_dim3A_101 : vector<512x1xf32> to vector<512x1024xf32>
    %eq3A_103 = arith.cmpf oeq, %select_n3A_98, %eq3A_102 : vector<512x1024xf32>
    %jit3A_104 = arith.constant 1024 : i32
    %broadcast_in_dim3A_105 = vector.broadcast %jit3A_104 : i32 to vector<512x1024xi32>
    %select_n3A_106 = arith.select %eq3A_103, %iota3A, %broadcast_in_dim3A_105 : vector<512x1024xi1>, vector<512x1024xi32>
    %reduce_min3A_107 = arith.constant dense<2147483647> : vector<512xi32>
    %reduce_min3A_108 = vector.multi_reduction <minsi>, %select_n3A_106, %reduce_min3A_107 [1] : vector<512x1024xi32> to vector<512xi32>
    %broadcast_in_dim3A_109 = vector.shape_cast %reduce_min3A_108 : vector<512xi32> to vector<512x1xi32>
    %eq3A_110 = vector.broadcast %broadcast_in_dim3A_109 : vector<512x1xi32> to vector<512x1024xi32>
    %eq3A_111 = arith.cmpi eq, %iota3A, %eq3A_110 : vector<512x1024xi32>
    %jit3A_112 = arith.constant 1.000000e+00 : f32
    %broadcast_in_dim3A_113 = vector.broadcast %jit3A_112 : f32 to vector<512x1024xf32>
    %select_n3A_114 = arith.select %eq3A_111, %broadcast_in_dim3A_113, %select_n3A_95 : vector<512x1024xi1>, vector<512x1024xf32>
    %mul3A = arith.mulf %dot_general3A_11, %select_n3A_114 : vector<512x1024xf32>
    %reduce_sum3A_115 = arith.constant dense<0.000000e+00> : vector<512xf32>
    %reduce_sum3A_116 = vector.multi_reduction <add>, %mul3A, %reduce_sum3A_115 [1] : vector<512x1024xf32> to vector<512xf32>
    %broadcast_in_dim3A_117 = vector.shape_cast %reduce_sum3A_116 : vector<512xf32> to vector<512x1xf32>
    %add3A = arith.constant 9.99999993E-9 : f32
    %add3A_118 = vector.broadcast %add3A : f32 to vector<512x1xf32>
    %add3A_119 = arith.addf %broadcast_in_dim3A_117, %add3A_118 : vector<512x1xf32>
    %div3A = vector.broadcast %add3A_119 : vector<512x1xf32> to vector<512x1024xf32>
    %div3A_120 = arith.divf %mul3A, %div3A : vector<512x1024xf32>
    %get3A_121 = arith.constant 0 : index
    %get3A_122 = arith.constant 0 : index
    %get3A_123 = arith.constant 0 : index
    %get3A_124 = vector.load %arg3[%get3A_121, %get3A_122, %get3A_123] : memref<1x1024x3xf32, #tpu.memory_space<vmem>>, vector<1x1024x3xf32>
    %get3A_125 = vector.shape_cast %get3A_124 : vector<1x1024x3xf32> to vector<1024x3xf32>
    %dot_general3A_126 = arith.constant dense<0.000000e+00> : vector<512x3xf32>
    %dot_general3A_127 = tpu.matmul %div3A_120, %get3A_125, %dot_general3A_126 {dimension_numbers = #tpu.dot_dimension_numbers<[1], [0], [0], [1], [0, 0, 1, 1], [], []>, precision = #tpu.contract_precision<fp32>, transpose_lhs_hint = false} : vector<512x1024xf32>, vector<1024x3xf32>, vector<512x3xf32> -> vector<512x3xf32>
    %swap3A_128 = arith.constant 0 : index
    %swap3A_129 = arith.constant 0 : index
    %swap3A_130 = arith.constant 0 : index
    %swap3A_131 = vector.load %arg7[%swap3A_128, %swap3A_129, %swap3A_130] : memref<1x512x3xf32, #tpu.memory_space<vmem>>, vector<1x512x3xf32>
    %swap3A_132 = vector.shape_cast %swap3A_131 : vector<1x512x3xf32> to vector<512x3xf32>
    %swap3A_133 = vector.shape_cast %dot_general3A_127 : vector<512x3xf32> to vector<1x512x3xf32>
    tpu.vector_store %arg7[%swap3A_128, %swap3A_129, %swap3A_130], %swap3A_133 {strides = array<i32>} : memref<1x512x3xf32, #tpu.memory_space<vmem>>, vector<1x512x3xf32>,
    return
  }
  func.func @transform_0(%arg0: i32) -> (i32, i32, i32) {
    %c0_i32 = arith.constant 0 : i32
    %c0_i32_0 = arith.constant 0 : i32
    %c0_i32_1 = arith.constant 0 : i32
    return %arg0, %c0_i32, %c0_i32_0 : i32, i32, i32
  }
  func.func @transform_1(%arg0: i32) -> (i32, i32, i32) {
    %c0_i32 = arith.constant 0 : i32
    %c0_i32_0 = arith.constant 0 : i32
    %c0_i32_1 = arith.constant 0 : i32
    return %arg0, %c0_i32, %c0_i32_0 : i32, i32, i32
  }
  func.func @transform_2(%arg0: i32) -> (i32, i32, i32) {
    %c0_i32 = arith.constant 0 : i32
    %c0_i32_0 = arith.constant 0 : i32
    %c0_i32_1 = arith.constant 0 : i32
    return %arg0, %c0_i32, %c0_i32_0 : i32, i32, i32
  }
  func.func @transform_3(%arg0: i32) -> (i32, i32, i32) {
    %c0_i32 = arith.constant 0 : i32
    %c0_i32_0 = arith.constant 0 : i32
    %c0_i32_1 = arith.constant 0 : i32
    return %arg0, %c0_i32, %c0_i32_0 : i32, i32, i32
  }
  func.func @transform_4(%arg0: i32) -> (i32, i32, i32) {
    %c0_i32 = arith.constant 0 : i32
    %c0_i32_0 = arith.constant 0 : i32
    %c0_i32_1 = arith.constant 0 : i32
    return %arg0, %c0_i32, %c0_i32_0 : i32, i32, i32
  }
  func.func @transform_5(%arg0: i32) -> (i32, i32, i32) {
    %c0_i32 = arith.constant 0 : i32
    %c0_i32_0 = arith.constant 0 : i32
    %c0_i32_1 = arith.constant 0 : i32
    return %arg0, %c0_i32, %c0_i32_0 : i32, i32, i32
  }
  func.func @transform_6(%arg0: i32) -> (i32, i32, i32) {
    %c0_i32 = arith.constant 0 : i32
    %c0_i32_0 = arith.constant 0 : i32
    %c0_i32_1 = arith.constant 0 : i32
    return %arg0, %c0_i32, %c0_i32_0 : i32, i32, i32
  }
  func.func @transform_7(%arg0: i32) -> (i32, i32, i32) {
    %c0_i32 = arith.constant 0 : i32
    %c0_i32_0 = arith.constant 0 : i32
    %c0_i32_1 = arith.constant 0 : i32
    return %arg0, %c0_i32, %c0_i32_0 : i32, i32, i32
  }
}

</mosaic_0001>

<sc_bundles>
// kernel: gather_offload_async_start.1
scs
__scs_entry_jumppad:
0x0: {  	(pc) =	sbr.rel $0x88, $3  }
0x1: {  	(tag) =	ssettag $0x0;
	lr =	simm.s32 $0x1  }
0x2: {  	[smem:$0x3F75] =	sst lr;
	_ =	strace $0xD0000000  }
0x3: {  	_ = 	snop  }
0x4: {  	_ = 	snop  }
0x5: {  	_ = 	snop  }
0x6: {  	_ = 	snop  }
0x7: {  	_ = 	snop  }
__scs_overlays_trampoline_lowered:
0x8: {  	[smem:$0x3F84] =	sst s0  }
0x9: {  	[smem:$0x3F85] =	sst s1  }
0xa: {  	[smem:$0x3F86] =	sst s2  }
0xb: {  	[smem:$0x3F87] =	sst s3  }
0xc: {  	[smem:$0x3F88] =	sst s4  }
0xd: {  	[smem:$0x3F89] =	sst s5  }
0xe: {  	[smem:$0x3F8A] =	sst s6  }
0xf: {  	[smem:$0x3F8B] =	sst s7  }
0x10: {  	[smem:$0x3F8C] =	sst s8  }
0x11: {  	[smem:$0x3F8D] =	sst s9;
	s0 =	simm.s32 @!p0 $0x0  }
0x12: {  	s1 =	sld [smem:$0x3F73];
	s0 =	simm.s32 @p0 $0x1  }
0x13: {  	[smem:$0x3F8E] =	sst s0;
	s0 =	simm.s32 @!p1 $0x0  }
0x14: {  	s2 =	sld [smem:$0x3F72];
	s0 =	simm.s32 @p1 $0x1  }
0x15: {  	[smem:$0x3F8F] =	sst s0;
	s0 =	simm.s32 @!p2 $0x0  }
0x16: {  	s3 =	sld [smem:$0x3FDB];
	s0 =	simm.s32 @p2 $0x1  }
0x17: {  	s4 =	simm.s32 $0x1BF5;
	[smem:$0x3F91] =	sst s0  }
0x18: {  	s0 =	sld [smem:$0x3F74];
	_ =	swait.ge [sflag:s4], $0x0  }
0x19: {  	s7 =	sld [smem:$0x3F75]  }
0x1a: {  	s8 =	sadd.s32 $0xFFFFE003, lr  }
0x1b: {  	s9 =	sadd.s32 $0xFFFFFEF7, lr;
	s5 =	simm.s32 $0xFFFFFFFF;
	p2 =	slt.u32 s8, $0xFFFFF086  }
0x1c: {  	p1 =	slt.u32 s9, $0xF7A;
	s5 =	simm.s32 @!p2 $0x0  }
0x1d: {  	s5 =	simm.s32 @p1 $0x1;
	p0 =	seq.s32 s7, s2  }
0x1e: {  	s7 =	smul.u32 @!p0 $0xF7A, s2;
	p2 =	seq.s32 @!p0 s5, $0x0  }
0x1f: {  	s9 =	smul.u32 $0xF7A, s1;
	s8 =	simm.s32 @!p0 $0x1BF5;
	p2 =	por !p2, p0  }
0x20: {  	[sflag:s8] =	ssyncset.s32 @!p0 $0xFFFFF086;
	s6 =	sadd.s32 @!p0 s3, s7;
	s7 =	simm.s32 @!p0 $0x108  }
0x21: {  	s3 =	sadd.s32 s3, s9;
	s6 =	sadd.s32 @!p0 $0x88, s6;
	s7 =	simm.s32 @p2 $0x1082  }
0x22: {  	[simem:s7], [sflag:s8] =	dma.local @!p0 [hbm:s6], $0xF7A  }
0x23: {  	s9 =	sor.u32 $0xD0000000, s2;
	s6 =	simm.s32 $0x108;
	_ =	swait.ge @!p0 [sflag:s8], $0x0  }
0x24: {  	s3 =	sadd.s32 $0x88, s3;
	s6 =	simm.s32 @!p1 $0x1082;
	[sflag:s4] =	ssyncset.s32 $0xFFFFF086  }
0x25: {  	[simem:s6], [sflag:s4] =	dma.local [hbm:s3], $0xF7A  }
0x26: {  	[smem:$0x3F75] =	sst s1;
	(tag) =	ssettag s2;
	_ =	strace s9  }
0x27: {  	s1 =	sld [smem:$0x3F85]  }
0x28: {  	s2 =	sld [smem:$0x3F86]  }
0x29: {  	s4 =	sld [smem:$0x3F88]  }
0x2a: {  	p0 =	seq.s32 s5, $0x0;
	s5 =	sld [smem:$0x3F89]  }
0x2b: {  	s6 =	sld [smem:$0x3F8A]  }
0x2c: {  	s7 =	sld [smem:$0x3F8B]  }
0x2d: {  	s3 =	simm.s32 $0x108;
	s8 =	sld [smem:$0x3F8C]  }
0x2e: {  	s3 =	simm.s32 @!p0 $0x1082;
	s9 =	sld [smem:$0x3F8D]  }
0x2f: {  	lr =	sadd.s32 s0, s3;
	s0 =	sld [smem:$0x3F84]  }
0x30: {  	s3 =	sld [smem:$0x3F87]  }
0x31: {  	[smem:$0x3F90] =	sst s10  }
0x32: {  	s10 =	sld [smem:$0x3F8E];
	_ =	sdelay $0x3  }
0x33: {  	p0 =	seq.s32 s10, $0x1;
	s10 =	sld [smem:$0x3F90];
	_ =	sdelay $0x3  }
0x34: {  	[smem:$0x3F90] =	sst s10  }
0x35: {  	s10 =	sld [smem:$0x3F8F];
	_ =	sdelay $0x3  }
0x36: {  	p1 =	seq.s32 s10, $0x1;
	s10 =	sld [smem:$0x3F90];
	_ =	sdelay $0x3  }
0x37: {  	[smem:$0x3F90] =	sst s10  }
0x38: {  	s10 =	sld [smem:$0x3F91]  }
0x39: {  	_ = 	snop;
	(pc) =	sbr.ind lr, $3  }
0x3a: {  	_ = 	snop  }
0x3b: {  	_ = 	snop  }
0x3c: {  	p2 =	seq.s32 s10, $0x1;
	s10 =	sld [smem:$0x3F90]  }
0x3d: {  	_ =	shalt  }
0x3e: {  	_ =	shalt  }
0x3f: {  	_ =	shalt  }
0x40: {  	_ =	shalt  }
0x41: {  	_ =	shalt  }
0x42: {  	_ =	shalt  }
0x43: {  	_ =	shalt  }
0x44: {  	_ =	shalt  }
0x45: {  	_ =	shalt  }
0x46: {  	_ =	shalt  }
0x47: {  	_ =	shalt  }
0x48: {  	_ =	shalt  }
0x49: {  	_ =	shalt  }
0x4a: {  	_ =	shalt  }
0x4b: {  	_ =	shalt  }
0x4c: {  	_ =	shalt  }
0x4d: {  	_ =	shalt  }
0x4e: {  	_ =	shalt  }
0x4f: {  	_ =	shalt  }
0x50: {  	_ =	shalt  }
0x51: {  	_ =	shalt  }
0x52: {  	_ =	shalt  }
0x53: {  	_ =	shalt  }
0x54: {  	_ =	shalt  }
0x55: {  	_ =	shalt  }
0x56: {  	_ =	shalt  }
0x57: {  	_ =	shalt  }
0x58: {  	_ =	shalt  }
0x59: {  	_ =	shalt  }
0x5a: {  	_ =	shalt  }
0x5b: {  	_ =	shalt  }
0x5c: {  	_ =	shalt  }
0x5d: {  	_ =	shalt  }
0x5e: {  	_ =	shalt  }
0x5f: {  	_ =	shalt  }
0x60: {  	_ =	shalt  }
0x61: {  	_ =	shalt  }
0x62: {  	_ =	shalt  }
0x63: {  	_ =	shalt  }
0x64: {  	_ =	shalt  }
0x65: {  	_ =	shalt  }
0x66: {  	_ =	shalt  }
0x67: {  	_ =	shalt  }
0x68: {  	_ =	shalt  }
0x69: {  	_ =	shalt  }
0x6a: {  	_ =	shalt  }
0x6b: {  	_ =	shalt  }
0x6c: {  	_ =	shalt  }
0x6d: {  	_ =	shalt  }
0x6e: {  	_ =	shalt  }
0x6f: {  	_ =	shalt  }
0x70: {  	_ =	shalt  }
0x71: {  	_ =	shalt  }
0x72: {  	_ =	shalt  }
0x73: {  	_ =	shalt  }
0x74: {  	_ =	shalt  }
0x75: {  	_ =	shalt  }
0x76: {  	_ =	shalt  }
0x77: {  	_ =	shalt  }
0x78: {  	_ =	shalt  }
0x79: {  	_ =	shalt  }
0x7a: {  	_ =	shalt  }
0x7b: {  	_ =	shalt  }
0x7c: {  	_ =	shalt  }
0x7d: {  	_ =	shalt  }
0x7e: {  	_ =	shalt  }
0x7f: {  	_ =	shalt  }
0x80: {  	_ =	shalt  }
0x81: {  	_ =	shalt  }
0x82: {  	_ =	shalt  }
0x83: {  	_ =	shalt  }
0x84: {  	_ =	shalt  }
0x85: {  	_ =	shalt  }
0x86: {  	_ =	shalt  }
0x87: {  	_ =	shalt  }
.Lfunc_end0:
.L_simem_size_0:
called_computation.1_lowered:
.L_overlay_start_0:
0x88: {  	s2 =	sld [smem:$0x3FD9]  }
0x89: {  	s3 =	sld [smem:$0x3FFE];
	_ =	sdelay $0x1  }
0x8a: {  	s1 =	srdreg.scid  }
0x8b: {  	s0 =	sand.u32 $0x1, s1  }
0x8c: {  	s14 =	sshll.u32 s0, $0xA;
	s2 =	sadd.s32 s3, s2  }
0x8d: {  	s2 =	sadd.s32 s2, s14  }
0x8e: {  	[smem:$0x3F9C] =	sst s2  }
0x8f: {  	_ = 	snop  }
0x90: {  	s2 =	sld [smem:$0x3FD0];
	_ =	sdelay $0x2  }
0x91: {  	s15 =	simm.s32 $0xB;
	s4 =	simm.s32 $0x10  }
0x92: {  	[smem:s4], [sflag:s15] =	dma.local [hbm:s2], $0x1  }
0x93: {  	_ =	swait.eq [sflag:s15], $0x1  }
0x94: {  	[sflag:s15] =	ssyncset.done $0x0  }
0x95: {  	[sflag:s15] =	ssyncadd.s32 $0xFFFFFFFF  }
0x96: {  	s16 =	sld [smem:$0x10];
	(tm) =	ssettm $0x1  }
0x97: {  	s17 =	sld [smem:$0x3FFB];
	_ =	sdelay $0x3  }
0x98: {  	_ =	strace s17  }
0x99: {  	s3 =	sld [smem:$0x3FFC];
	_ =	sdelay $0x3  }
0x9a: {  	_ =	strace s3  }
0x9b: {  	s3 =	sld [smem:$0x3FFD];
	_ =	sdelay $0x3  }
0x9c: {  	_ =	strace s3  }
0x9d: {  	_ =	strace $0x8FFFFFFF  }
0x9e: {  	s18 =	sld [smem:$0x3FDB];
	_ =	sdelay $0x1  }
0x9f: {  	s19 =	simm.s32 $_scs_section_size  }
0xa0: {  	s5 =	simm.s32 $_size__tile_overlayer_lowered;
	s6 =	simm.s32 $_tile_overlayer_lowered  }
0xa1: {  	s22 =	simm.s32 $0x1BFF;
	s21 =	sshll.u32 s6, $0x1;
	s3 =	sadd.s32 s19, s18  }
0xa2: {  	s7 =	simm.s32 $0x0;
	s20 =	sshll.u32 s5, $0x1;
	s5 =	sadd.s32 s21, s3  }
0xa3: {  	[timem:s7], [sflag:s22] =	dma.local [hbm:s5], s20  }
0xa4: {  	_ =	swait.ge [sflag:s22], s20  }
0xa5: {  	s4 =	ssub.s32 $0x0, s20;
	[sflag:s22] =	ssyncset.done $0x0  }
0xa6: {  	[sflag:s22] =	ssyncadd.s32 s4;
	_ =	sdelay $0x1  }
0xa7: {  	s23 =	simm.s32 $0x1B8B  }
0xa8: {  	_ =	swait.ge [sflag:s23], $0x1  }
0xa9: {  	[sflag:s23] =	ssyncset.done $0x0  }
0xaa: {  	s25 =	simm.s32 $0x1B8E;
	s24 =	sld [smem:$0x3FFE];
	[sflag:s23] =	ssyncadd.s32 $0xFFFFFFFF  }
0xab: {  	s26 =	simm.s32 $execute0_lowered;
	[smem:$0x3FD2] =	sst s25  }
0xac: {  	s5 =	sshll.u32 s26, $0x1;
	_ =	strace $0x80000049;
	[dreg:$0x1] =	wrdreg $0xFFFFFFFF  }
0xad: {  	s28 =	simm.s32 $_size_execute0_lowered;
	s3 =	sadd.s32 s3, s5;
	[dreg:$0x0] =	wrdreg $0x0  }
0xae: {  	s5 =	sshll.u32 s28, $0x1;
	[dreg:$0x2] =	wrdreg s3  }
0xaf: {  	[dreg:$0x3] =	wrdreg s5  }
0xb0: {  	[dreg:$0x4] =	wrdreg $0xC0  }
0xb1: {  	_ =	task [dreg:s7], $0x5FFFF  }
0xb2: {  	[dreg:$0x1] =	wrdreg $0xFFFFFFFF  }
0xb3: {  	[dreg:$0x0] =	wrdreg $0x60  }
0xb4: {  	[dreg:$0x2] =	wrdreg s24  }
0xb5: {  	[dreg:$0x3] =	wrdreg s16  }
0xb6: {  	[dreg:$0x4] =	wrdreg $0x9  }
0xb7: {  	_ =	task.clear_ibuf [dreg:s7], $0x5FFFF;
	_ =	strace $0x90000049  }
0xb8: {  	s29 =	simm.s32 $0x9;
	_ =	strace $0x8000004B  }
0xb9: {  	_ =	swait.ge [sflag:s29], $0x1  }
0xba: {  	[sflag:s29] =	ssyncadd.s32 $0xFFFFFFFF  }
0xbb: {  	_ =	strace $0x9000004B  }
0xbc: {  	_ =	sfence  }
0xbd: {  	s30 =	sld [smem:$0x0];
	_ =	sdelay $0x2  }
0xbe: {  	s31 =	sshll.u32 s1, $0xD;
	s1 =	sshrl.u32 s1, $0x2  }
0xbf: {  	s3 =	sand.u32 $0x4000, s31;
	s1 =	sadd.s32 s1, s30  }
0xc0: {  	s0 =	sor.u32 s3, s0;
	s1 =	sshll.u32 s1, $0x11  }
0xc1: {  	s0 =	sor.u32 s1, s0  }
0xc2: {  	s0 =	sadd.s32 $0x8F2B, s0  }
0xc3: {  	[sflag:s0] =	ssyncadd.remote.s32 $0x1  }
0xc4: {  	_ =	sfence.sel $0xFFFF  }
0xc5: {  	[dreg:$0x0] =	wrdreg $0xFFFFFFFF;
	(pc) =	sbr.abs _section_cstart, $3  }
0xc6: {  	[dreg:$0x1] =	wrdreg $0xFFFFFFFF  }
0xc7: {  	_ =	task.clear_ibuf [dreg:s7], $0x2FFFF;
	_ =	strace $0x9FFFFFFF  }
0xc8: {  	(tm) =	ssettm $0x7FFFFFFF  }
0xc9: {  	_ =	shalt  }
tec
execute0_lowered:
.L_overlay_start_1:
0x0: {  	(tag) =	ssettag $0x1  }
0x1: {  	s2 =	rddreg [dreg:$0x0]  }
0x2: {  	s3 =	rddreg [dreg:$0x1]  }
0x3: {  	s0 =	rddreg [dreg:$0x2];
	s1 =	srdreg.scid;
	_ =	strace $0x8000004A  }
0x4: {  	s4 =	simm.s32 $0x1;
	s9 =	simm.s32 $0x3;
	s5 =	sshll.u32 s1, $0x4  }
.Ltmp0:
0x5: {  	s1 =	stileid.u32;
	s5 =	sand.u32 $0x10, s5;
	(pc) =	sbr.rel .LBB2_1-.Ltmp0, $4  }
0x6: {  	s12 =	simm.s32 $0x0;
	s10 =	simm.s32 $0x0;
	s6 =	sor.u32 s1, s5  }
0x7: {  	[sflag:s4] =	ssyncpa.u1 $0x0;
	s5 =	simm.s32 $0x2;
	s6 =	sshll.u32 s6, $0x7  }
0x8: {  	s7 =	sadd.s32 $0xCC000, s2;
	[sflag:s5] =	ssyncpa.u1 $0x0;
	s8 =	sadd.s32 $0x80, s6  }
0x9: {  	vm0 =	vmmov $0xff;
	vm1 =	vcmask $0x3F20;
	[sflag:s9] =	ssyncpa.u1 $0x0;
	s9 =	simm.s32 $0x80;
	s11 =	smov.u32 s6  }
.LBB2_9:
0xa: {  	p0 =	seq.s32 s10, $0x2  }
.Ltmp1:
0xb: {  	_ = 	snop;
	(pc) =	sbr.rel @p0 .LBB2_11-.Ltmp1, $1  }
0xc: {  	_ =	sdelay $0x3  }
.LBB2_10:
0xd: {  	s12 =	sadd.s32 $0x80, s11  }
0xe: {  	s13 =	smov.u32 s6;
	p0 =	slt.s32 s12, s8  }
0xf: {  	s13 =	smov.u32 @p0 s12  }
0x10: {  	s10 =	sadd.s32 $0x1, s10;
	s12 =	smov.u32 s11;
	s11 =	smov.u32 s13  }
.LBB2_1:
0x11: {  	p0 =	sne.s32 s10, $0x0  }
.Ltmp2:
0x12: {  	_ = 	snop;
	(pc) =	sbr.rel @!p0 .LBB2_2-.Ltmp2, $1  }
0x13: {  	_ =	sdelay $0x3  }
0x14: {  	s13 =	sand.u32 $0x1, s10  }
0x15: {  	p0 =	seq.s32 s13, $0x0  }
.Ltmp3:
0x16: {  	_ = 	snop;
	(pc) =	sbr.rel @p0 .LBB2_9-.Ltmp3, $1  }
0x17: {  	_ =	sdelay $0x3  }
0x18: {  	_ =	swait.ge [sflag:s5], $0x80  }
0x19: {  	[sflag:s5] =	ssyncset.done $0x0  }
0x1a: {  	s13 =	simm.s32 $0x0;
	[sflag:s5] =	ssyncadd.s32 $0xFFFFFF80  }
0x1b: {  	v0 =	vld.msk [tilespmem:s13+$0x80 ss:$0x1], $0xffff;
	_ =	sdelay $0x4  }
0x1c: {  	v1 =	vshll.u32 v0, $0x5  }
0x1d: {  	vm2 =	veq.s32 v0, $0x80000000;
	v0 =	vshll.u32 v0, $0x12;
	v1 =	vand.u32 $0x3FF80, v1  }
0x1e: {  	v0 =	vand.u32 $0xC0000, v0;
	v1 =	vsel vm2, $0xFFFFFF80, v1  }
0x1f: {  	v0 =	vsel vm2, $0xFFFC0000, v0;
	v2 =	vand.u32 $0xFFFFFC00, v1  }
0x20: {  	v1 =	vand.u32 $0x380, v1;
	v0 =	vadd.s32 v0, v2  }
0x21: {  	v0 =	vor.u32 v1, v0  }
0x22: {  	v0 =	vshrl.u32 v0, $0x3;
	_ =	sdelay $0x3  }
0x23: {  	s13 =	simm.s32 $0x4100  }
0x24: {  	[tilespmem:s13], [sflag:$0x1] =	stream.indirect_vreg.gather [hbm:s2], $0x80, v0, vm0, $0x38;
	[tilespmem:$0x8100] =	vst v63  }
0x25: {  	s14 =	simm.s32 $0x4500;
	s31 =	simm.s32 $0x10  }
0x26: {  	[tilespmem:s14], [sflag:$0x1] =	stream.indirect_vreg.gather [hbm:s2], $0x80, v0, vm1, $0x38;
	[tilespmem:$0x8100] =	vst v63  }
0x27: {  	s14 =	simm.s32 $0x80;
	v0 =	vld.msk [tilespmem:s31+$0x80 ss:$0x1], $0xffff  }
.LBB2_5:
0x28: {  	p0 =	sne.s32 s14, $0x1C0;
	_ =	sdelay $0x4  }
0x29: {  	v1 =	vshll.u32 v0, $0x5  }
0x2a: {  	vm2 =	veq.s32 v0, $0x80000000;
	v0 =	vshll.u32 v0, $0x12;
	v1 =	vand.u32 $0x3FF80, v1  }
0x2b: {  	v0 =	vand.u32 $0xC0000, v0;
	v1 =	vsel vm2, $0xFFFFFF80, v1  }
0x2c: {  	v0 =	vsel vm2, $0xFFFC0000, v0;
	v2 =	vand.u32 $0xFFFFFC00, v1  }
0x2d: {  	v1 =	vand.u32 $0x380, v1;
	v0 =	vadd.s32 v0, v2  }
0x2e: {  	v0 =	vor.u32 v1, v0  }
0x2f: {  	v0 =	vshrl.u32 v0, $0x3;
	_ =	sdelay $0x3  }
.Ltmp4:
0x30: {  	s13 =	sadd.s32 $0x800, s13;
	(pc) =	sbr.rel @p0 .LBB2_5-.Ltmp4, $4  }
0x31: {  	[tilespmem:s13], [sflag:$0x1] =	stream.indirect_vreg.gather [hbm:s2], $0x80, v0, vm0, $0x38;
	[tilespmem:$0x8100] =	vst v63  }
0x32: {  	s15 =	sshra.s32 s14, $0x2;
	s16 =	sadd.s32 $0x400, s13  }
0x33: {  	[tilespmem:s16], [sflag:$0x1] =	stream.indirect_vreg.gather [hbm:s2], $0x80, v0, vm1, $0x38;
	[tilespmem:$0x8100] =	vst v63  }
0x34: {  	s14 =	sadd.s32 $0x40, s14;
	v0 =	vld.msk [tilespmem:s15+$0x80 ss:$0x1], $0xffff  }
0x35: {  	_ =	sdelay $0x3  }
0x36: {  	v1 =	vshll.u32 v0, $0x5  }
0x37: {  	vm2 =	veq.s32 v0, $0x80000000;
	v63 =	vshll.u32 v0, $0x12;
	v1 =	vand.u32 $0x3FF80, v1  }
0x38: {  	v0 =	vand.u32 $0xC0000, v63;
	v1 =	vsel vm2, $0xFFFFFF80, v1  }
0x39: {  	v0 =	vsel vm2, $0xFFFC0000, v0;
	v2 =	vand.u32 $0xFFFFFC00, v1  }
0x3a: {  	v1 =	vand.u32 $0x380, v1;
	v0 =	vadd.s32 v0, v2  }
0x3b: {  	v0 =	vor.u32 v1, v0  }
0x3c: {  	v0 =	vshrl.u32 v0, $0x3;
	_ =	sdelay $0x3  }
0x3d: {  	s13 =	sadd.s32 $0x800, s13  }
0x3e: {  	[tilespmem:s13], [sflag:$0x1] =	stream.indirect_vreg.gather [hbm:s2], $0x80, v0, vm0, $0x38;
	[tilespmem:$0x8100] =	vst v63  }
0x3f: {  	s13 =	sadd.s32 $0x400, s13  }
0x40: {  	[tilespmem:s13], [sflag:$0x1] =	stream.indirect_vreg.gather [hbm:s2], $0x80, v0, vm1, $0x38;
	[tilespmem:$0x8100] =	vst v63  }
0x41: {  	s12 =	sshll.u32 s12, $0x4;
	s14 =	simm.s32 $0x80;
	_ =	swait.ge [sflag:s4], $0x4000  }
0x42: {  	s15 =	simm.s32 $0x4500;
	s12 =	sadd.s32 s12, s7;
	[sflag:s4] =	ssyncset.done $0x0  }
0x43: {  	s16 =	sadd.s32 $0x0, s12;
	s13 =	simm.s32 $0x4100;
	[sflag:s4] =	ssyncadd.s32 $0xFFFFC000  }
.LBB2_7:
0x44: {  	[hbm:s16] =	stream.linear.scatter [tilespmem:s13], [sflag:$0x3], $0x400, $0x38;
	[tilespmem:$0x8100] =	vst v63  }
0x45: {  	s16 =	smov.u32 s14;
	s13 =	smov.u32 s15;
	p0 =	sne.s32 s14, $0x780  }
.Ltmp5:
0x46: {  	s14 =	sadd.s32 $0x80, s14;
	(pc) =	sbr.rel @p0 .LBB2_7-.Ltmp5, $2  }
0x47: {  	_ =	sdelay $0x2  }
0x48: {  	s15 =	sadd.s32 $0x400, s15;
	s16 =	sadd.s32 s16, s12  }
.Ltmp6:
0x49: {  	(pc) =	sbr.rel .LBB2_9-.Ltmp6, $2  }
0x4a: {  	_ =	sdelay $0x2  }
0x4b: {  	[hbm:s16] =	stream.linear.scatter [tilespmem:s13], [sflag:$0x3], $0x400, $0x38;
	[tilespmem:$0x8100] =	vst v63  }
.LBB2_2:
.Ltmp7:
0x4c: {  	(pc) =	sbr.rel .LBB2_10-.Ltmp7, $4  }
0x4d: {  	_ = 	snop  }
0x4e: {  	s12 =	sshrl.u32 s11, $0x3  }
0x4f: {  	s13 =	sand.u32 $0x7, s11;
	s12 =	sadd.s32 s3, s12  }
0x50: {  	[tilespmem:s9], [sflag:$0x2] =	stream.linear.gather [hbm4b:s12+s13], $0x80, $0x38;
	[tilespmem:$0x8100] =	vst v63  }
.LBB2_11:
0x51: {  	s2 =	simm.s32 $0x3  }
0x52: {  	_ =	swait.ge [sflag:s2], $0x4000  }
0x53: {  	[sflag:s2] =	ssyncset.done $0x0  }
0x54: {  	[sflag:s2] =	ssyncadd.s32 $0xFFFFC000  }
0x55: {  	_ =	sfence.sel $0x180000  }
0x56: {  	s3 =	simm.s32 $0x2;
	[bflag:$0x0] =	sbarrier.arrive $0xFFFF  }
0x57: {  	[sflag:s3] =	ssyncpa.u1 $0x1  }
0x58: {  	s31 =	simm.s32 $0x1;
	[sflag:s2] =	ssyncpa.u1 $0x1  }
0x59: {  	[sflag:s31] =	ssyncpa.u1 $0x1  }
0x5a: {  	p0 =	sne.s32 s1, $0x0;
	_ =	strace $0x9000004A  }
0x5b: {  	s0 =	sadd.s32 @!p0 $0x100000, s0;
	[bflag:$0x2] =	sbarrier.arrive $0xFFFF  }
0x5c: {  	[sflag:s0] =	ssyncadd.tile.s32 @!p0 $0x1;
	_ =	shalt  }
.Lfunc_end2:
_tile_overlayer_lowered:
.L_overlay_start_2:
0x5d: {  	(tag) =	ssettag $0x2  }
0x5e: {  	s0 =	rddreg [dreg:$0x0];
	s2 =	stileid.u32  }
0x5f: {  	s1 =	rddreg [dreg:$0x1];
	p0 =	sne.s32 s2, $0x0  }
0x60: {  	s3 =	rddreg [dreg:$0x2];
	[bflag:$0x3] =	sbarrier.arrive $0xFFFF;
	s2 =	simm.s32 @!p0 $0x1C01  }
0x61: {  	[timem:s3], [sflag:s2] =	dma.local @!p0 [hbm:s0], s1  }
0x62: {  	s0 =	simm.s32 @!p0 $0x1  }
0x63: {  	_ =	swait.ge @!p0 [sflag:s0], s1  }
0x64: {  	s1 =	ssub.s32 @!p0 $0x0, s1;
	[sflag:s0] =	ssyncset.done @!p0 $0x0  }
0x65: {  	[sflag:s0] =	ssyncadd.s32 @!p0 s1  }
0x66: {  	[bflag:$0x3] =	sbarrier.arrive $0xFFFF  }
0x67: {  	_ =	shalt  }

// kernel: gather_offload_async_start.2
scs
__scs_entry_jumppad:
0x0: {  	(pc) =	sbr.rel $0x88, $3  }
0x1: {  	(tag) =	ssettag $0x0;
	lr =	simm.s32 $0x1  }
0x2: {  	[smem:$0x3F75] =	sst lr;
	_ =	strace $0xD0000000  }
0x3: {  	_ = 	snop  }
0x4: {  	_ = 	snop  }
0x5: {  	_ = 	snop  }
0x6: {  	_ = 	snop  }
0x7: {  	_ = 	snop  }
__scs_overlays_trampoline_lowered:
0x8: {  	[smem:$0x3F84] =	sst s0  }
0x9: {  	[smem:$0x3F85] =	sst s1  }
0xa: {  	[smem:$0x3F86] =	sst s2  }
0xb: {  	[smem:$0x3F87] =	sst s3  }
0xc: {  	[smem:$0x3F88] =	sst s4  }
0xd: {  	[smem:$0x3F89] =	sst s5  }
0xe: {  	[smem:$0x3F8A] =	sst s6  }
0xf: {  	[smem:$0x3F8B] =	sst s7  }
0x10: {  	[smem:$0x3F8C] =	sst s8  }
0x11: {  	[smem:$0x3F8D] =	sst s9;
	s0 =	simm.s32 @!p0 $0x0  }
0x12: {  	s1 =	sld [smem:$0x3F73];
	s0 =	simm.s32 @p0 $0x1  }
0x13: {  	[smem:$0x3F8E] =	sst s0;
	s0 =	simm.s32 @!p1 $0x0  }
0x14: {  	s2 =	sld [smem:$0x3F72];
	s0 =	simm.s32 @p1 $0x1  }
0x15: {  	[smem:$0x3F8F] =	sst s0;
	s0 =	simm.s32 @!p2 $0x0  }
0x16: {  	s3 =	sld [smem:$0x3FDB];
	s0 =	simm.s32 @p2 $0x1  }
0x17: {  	s4 =	simm.s32 $0x1BF5;
	[smem:$0x3F91] =	sst s0  }
0x18: {  	s0 =	sld [smem:$0x3F74];
	_ =	swait.ge [sflag:s4], $0x0  }
0x19: {  	s7 =	sld [smem:$0x3F75]  }
0x1a: {  	s8 =	sadd.s32 $0xFFFFE003, lr  }
0x1b: {  	s9 =	sadd.s32 $0xFFFFFEF7, lr;
	s5 =	simm.s32 $0xFFFFFFFF;
	p2 =	slt.u32 s8, $0xFFFFF086  }
0x1c: {  	p1 =	slt.u32 s9, $0xF7A;
	s5 =	simm.s32 @!p2 $0x0  }
0x1d: {  	s5 =	simm.s32 @p1 $0x1;
	p0 =	seq.s32 s7, s2  }
0x1e: {  	s7 =	smul.u32 @!p0 $0xF7A, s2;
	p2 =	seq.s32 @!p0 s5, $0x0  }
0x1f: {  	s9 =	smul.u32 $0xF7A, s1;
	s8 =	simm.s32 @!p0 $0x1BF5;
	p2 =	por !p2, p0  }
0x20: {  	[sflag:s8] =	ssyncset.s32 @!p0 $0xFFFFF086;
	s6 =	sadd.s32 @!p0 s3, s7;
	s7 =	simm.s32 @!p0 $0x108  }
0x21: {  	s3 =	sadd.s32 s3, s9;
	s6 =	sadd.s32 @!p0 $0x88, s6;
	s7 =	simm.s32 @p2 $0x1082  }
0x22: {  	[simem:s7], [sflag:s8] =	dma.local @!p0 [hbm:s6], $0xF7A  }
0x23: {  	s9 =	sor.u32 $0xD0000000, s2;
	s6 =	simm.s32 $0x108;
	_ =	swait.ge @!p0 [sflag:s8], $0x0  }
0x24: {  	s3 =	sadd.s32 $0x88, s3;
	s6 =	simm.s32 @!p1 $0x1082;
	[sflag:s4] =	ssyncset.s32 $0xFFFFF086  }
0x25: {  	[simem:s6], [sflag:s4] =	dma.local [hbm:s3], $0xF7A  }
0x26: {  	[smem:$0x3F75] =	sst s1;
	(tag) =	ssettag s2;
	_ =	strace s9  }
0x27: {  	s1 =	sld [smem:$0x3F85]  }
0x28: {  	s2 =	sld [smem:$0x3F86]  }
0x29: {  	s4 =	sld [smem:$0x3F88]  }
0x2a: {  	p0 =	seq.s32 s5, $0x0;
	s5 =	sld [smem:$0x3F89]  }
0x2b: {  	s6 =	sld [smem:$0x3F8A]  }
0x2c: {  	s7 =	sld [smem:$0x3F8B]  }
0x2d: {  	s3 =	simm.s32 $0x108;
	s8 =	sld [smem:$0x3F8C]  }
0x2e: {  	s3 =	simm.s32 @!p0 $0x1082;
	s9 =	sld [smem:$0x3F8D]  }
0x2f: {  	lr =	sadd.s32 s0, s3;
	s0 =	sld [smem:$0x3F84]  }
0x30: {  	s3 =	sld [smem:$0x3F87]  }
0x31: {  	[smem:$0x3F90] =	sst s10  }
0x32: {  	s10 =	sld [smem:$0x3F8E];
	_ =	sdelay $0x3  }
0x33: {  	p0 =	seq.s32 s10, $0x1;
	s10 =	sld [smem:$0x3F90];
	_ =	sdelay $0x3  }
0x34: {  	[smem:$0x3F90] =	sst s10  }
0x35: {  	s10 =	sld [smem:$0x3F8F];
	_ =	sdelay $0x3  }
0x36: {  	p1 =	seq.s32 s10, $0x1;
	s10 =	sld [smem:$0x3F90];
	_ =	sdelay $0x3  }
0x37: {  	[smem:$0x3F90] =	sst s10  }
0x38: {  	s10 =	sld [smem:$0x3F91]  }
0x39: {  	_ = 	snop;
	(pc) =	sbr.ind lr, $3  }
0x3a: {  	_ = 	snop  }
0x3b: {  	_ = 	snop  }
0x3c: {  	p2 =	seq.s32 s10, $0x1;
	s10 =	sld [smem:$0x3F90]  }
0x3d: {  	_ =	shalt  }
0x3e: {  	_ =	shalt  }
0x3f: {  	_ =	shalt  }
0x40: {  	_ =	shalt  }
0x41: {  	_ =	shalt  }
0x42: {  	_ =	shalt  }
0x43: {  	_ =	shalt  }
0x44: {  	_ =	shalt  }
0x45: {  	_ =	shalt  }
0x46: {  	_ =	shalt  }
0x47: {  	_ =	shalt  }
0x48: {  	_ =	shalt  }
0x49: {  	_ =	shalt  }
0x4a: {  	_ =	shalt  }
0x4b: {  	_ =	shalt  }
0x4c: {  	_ =	shalt  }
0x4d: {  	_ =	shalt  }
0x4e: {  	_ =	shalt  }
0x4f: {  	_ =	shalt  }
0x50: {  	_ =	shalt  }
0x51: {  	_ =	shalt  }
0x52: {  	_ =	shalt  }
0x53: {  	_ =	shalt  }
0x54: {  	_ =	shalt  }
0x55: {  	_ =	shalt  }
0x56: {  	_ =	shalt  }
0x57: {  	_ =	shalt  }
0x58: {  	_ =	shalt  }
0x59: {  	_ =	shalt  }
0x5a: {  	_ =	shalt  }
0x5b: {  	_ =	shalt  }
0x5c: {  	_ =	shalt  }
0x5d: {  	_ =	shalt  }
0x5e: {  	_ =	shalt  }
0x5f: {  	_ =	shalt  }
0x60: {  	_ =	shalt  }
0x61: {  	_ =	shalt  }
0x62: {  	_ =	shalt  }
0x63: {  	_ =	shalt  }
0x64: {  	_ =	shalt  }
0x65: {  	_ =	shalt  }
0x66: {  	_ =	shalt  }
0x67: {  	_ =	shalt  }
0x68: {  	_ =	shalt  }
0x69: {  	_ =	shalt  }
0x6a: {  	_ =	shalt  }
0x6b: {  	_ =	shalt  }
0x6c: {  	_ =	shalt  }
0x6d: {  	_ =	shalt  }
0x6e: {  	_ =	shalt  }
0x6f: {  	_ =	shalt  }
0x70: {  	_ =	shalt  }
0x71: {  	_ =	shalt  }
0x72: {  	_ =	shalt  }
0x73: {  	_ =	shalt  }
0x74: {  	_ =	shalt  }
0x75: {  	_ =	shalt  }
0x76: {  	_ =	shalt  }
0x77: {  	_ =	shalt  }
0x78: {  	_ =	shalt  }
0x79: {  	_ =	shalt  }
0x7a: {  	_ =	shalt  }
0x7b: {  	_ =	shalt  }
0x7c: {  	_ =	shalt  }
0x7d: {  	_ =	shalt  }
0x7e: {  	_ =	shalt  }
0x7f: {  	_ =	shalt  }
0x80: {  	_ =	shalt  }
0x81: {  	_ =	shalt  }
0x82: {  	_ =	shalt  }
0x83: {  	_ =	shalt  }
0x84: {  	_ =	shalt  }
0x85: {  	_ =	shalt  }
0x86: {  	_ =	shalt  }
0x87: {  	_ =	shalt  }
.Lfunc_end0:
.L_simem_size_0:
called_computation.2_lowered:
.L_overlay_start_0:
0x88: {  	s2 =	sld [smem:$0x3FD9]  }
0x89: {  	s3 =	sld [smem:$0x3FFE];
	_ =	sdelay $0x1  }
0x8a: {  	s1 =	srdreg.scid  }
0x8b: {  	s0 =	sand.u32 $0x1, s1  }
0x8c: {  	s17 =	sshll.u32 s0, $0xA;
	s2 =	sadd.s32 s3, s2  }
0x8d: {  	s2 =	sadd.s32 s2, s17  }
0x8e: {  	[smem:$0x3F9C] =	sst s2  }
0x8f: {  	_ = 	snop  }
0x90: {  	(tm) =	ssettm $0x1  }
0x91: {  	s18 =	sld [smem:$0x3FFB];
	_ =	sdelay $0x3  }
0x92: {  	_ =	strace s18  }
0x93: {  	s2 =	sld [smem:$0x3FFC];
	_ =	sdelay $0x3  }
0x94: {  	_ =	strace s2  }
0x95: {  	s2 =	sld [smem:$0x3FFD];
	_ =	sdelay $0x3  }
0x96: {  	_ =	strace s2  }
0x97: {  	_ =	strace $0x8FFFFFFF  }
0x98: {  	s19 =	sld [smem:$0x3FDB];
	_ =	sdelay $0x1  }
0x99: {  	s20 =	simm.s32 $_scs_section_size  }
0x9a: {  	s4 =	simm.s32 $_size__tile_overlayer_lowered;
	s5 =	simm.s32 $_tile_overlayer_lowered  }
0x9b: {  	s6 =	simm.s32 $0x1BFF;
	s21 =	sshll.u32 s5, $0x1;
	s3 =	sadd.s32 s20, s19  }
0x9c: {  	s22 =	simm.s32 $0x0;
	s4 =	sshll.u32 s4, $0x1;
	s5 =	sadd.s32 s21, s3  }
0x9d: {  	[timem:s22], [sflag:s6] =	dma.local [hbm:s5], s4  }
0x9e: {  	_ =	swait.ge [sflag:s6], s4  }
0x9f: {  	s4 =	ssub.s32 $0x0, s4;
	[sflag:s6] =	ssyncset.done $0x0  }
0xa0: {  	[sflag:s6] =	ssyncadd.s32 s4;
	_ =	sdelay $0x1  }
0xa1: {  	s23 =	simm.s32 $0x1B8B  }
0xa2: {  	_ =	swait.ge [sflag:s23], $0x1  }
0xa3: {  	[sflag:s23] =	ssyncset.done $0x0  }
0xa4: {  	[sflag:s23] =	ssyncadd.s32 $0xFFFFFFFF  }
0xa5: {  	s4 =	sld [smem:$0x0]  }
0xa6: {  	s5 =	sand.u32 $0xFFFFFFFE, s1  }
0xa7: {  	p0 =	sne.s32 s1, s5  }
0xa8: {  	s5 =	sshll.u32 @p0 s5, $0xE  }
0xa9: {  	s5 =	sadd.s32 @p0 $0x11B8D, s5;
	s6 =	sshll.u32 @p0 s4, $0x11  }
0xaa: {  	s5 =	sor.u32 @p0 s6, s5  }
0xab: {  	[sflag:s5] =	ssyncadd.remote.s32 @p0 $0x1;
	_ =	sdelay $0x1  }
0xac: {  	s5 =	simm.s32 @p0 $0x1B8D  }
0xad: {  	_ =	swait.eq @p0 [sflag:s5], $0x1  }
0xae: {  	[sflag:s5] =	ssyncadd.s32 @p0 $0xFFFFFFFF  }
0xaf: {  	s6 =	sshll.u32 @!p0 s1, $0xE  }
0xb0: {  	s6 =	sor.u32 @!p0 $0x4000, s6;
	s5 =	simm.s32 @!p0 $0x1B8D  }
0xb1: {  	s4 =	sshll.u32 @!p0 s4, $0x11;
	s6 =	sadd.s32 @!p0 $0x11B8D, s6;
	_ =	swait.eq @!p0 [sflag:s5], $0x1  }
0xb2: {  	s4 =	sor.u32 @!p0 s4, s6;
	[sflag:s5] =	ssyncadd.s32 @!p0 $0xFFFFFFFF  }
0xb3: {  	s25 =	simm.s32 $0x1B8E;
	s24 =	sld [smem:$0x3FFE];
	[sflag:s4] =	ssyncadd.remote.s32 @!p0 $0x1  }
0xb4: {  	s26 =	simm.s32 $execute0_lowered;
	[smem:$0x3FD2] =	sst s25  }
0xb5: {  	s5 =	sshll.u32 s26, $0x1;
	_ =	strace $0x8000004C;
	[dreg:$0x1] =	wrdreg $0xFFFFFFFF  }
0xb6: {  	s28 =	simm.s32 $_size_execute0_lowered;
	s3 =	sadd.s32 s3, s5;
	[dreg:$0x0] =	wrdreg $0x0  }
0xb7: {  	s5 =	sshll.u32 s28, $0x1;
	[dreg:$0x2] =	wrdreg s3  }
0xb8: {  	[dreg:$0x3] =	wrdreg s5  }
0xb9: {  	[dreg:$0x4] =	wrdreg $0xC0  }
0xba: {  	_ =	task [dreg:s22], $0x5FFFF  }
0xbb: {  	[dreg:$0x1] =	wrdreg $0xFFFFFFFF  }
0xbc: {  	[dreg:$0x0] =	wrdreg $0x60  }
0xbd: {  	[dreg:$0x2] =	wrdreg s24  }
0xbe: {  	[dreg:$0x3] =	wrdreg $0xA  }
0xbf: {  	_ =	task.clear_ibuf [dreg:s22], $0x4FFFF;
	_ =	strace $0x9000004C  }
0xc0: {  	s29 =	simm.s32 $0xA;
	_ =	strace $0x8000004E  }
0xc1: {  	_ =	swait.ge [sflag:s29], $0x1  }
0xc2: {  	[sflag:s29] =	ssyncadd.s32 $0xFFFFFFFF  }
0xc3: {  	_ =	strace $0x9000004E  }
0xc4: {  	_ =	sfence  }
0xc5: {  	s30 =	sld [smem:$0x0];
	_ =	sdelay $0x2  }
0xc6: {  	s31 =	sshll.u32 s1, $0xD;
	s1 =	sshrl.u32 s1, $0x2  }
0xc7: {  	s4 =	sand.u32 $0x4000, s31;
	s1 =	sadd.s32 s1, s30  }
0xc8: {  	s0 =	sor.u32 s4, s0;
	s1 =	sshll.u32 s1, $0x11  }
0xc9: {  	s0 =	sor.u32 s1, s0  }
0xca: {  	s0 =	sadd.s32 $0x8F2B, s0  }
0xcb: {  	[sflag:s0] =	ssyncadd.remote.s32 $0x1  }
0xcc: {  	_ =	sfence.sel $0xFFFF  }
0xcd: {  	[dreg:$0x0] =	wrdreg $0xFFFFFFFF;
	(pc) =	sbr.abs _section_cstart, $3  }
0xce: {  	[dreg:$0x1] =	wrdreg $0xFFFFFFFF  }
0xcf: {  	_ =	task.clear_ibuf [dreg:s22], $0x2FFFF;
	_ =	strace $0x9FFFFFFF  }
0xd0: {  	(tm) =	ssettm $0x7FFFFFFF  }
0xd1: {  	_ =	shalt  }
tec
execute0_lowered:
.L_overlay_start_1:
0x0: {  	(tag) =	ssettag $0x1  }
0x1: {  	s7 =	rddreg [dreg:$0x0]  }
0x2: {  	s0 =	rddreg [dreg:$0x1];
	_ =	strace $0x8000004D  }
0x3: {  	s1 =	srdreg.scid;
	s4 =	simm.s32 $0x1;
	s9 =	simm.s32 $0x3  }
0x4: {  	s12 =	simm.s32 $0x0;
	s10 =	simm.s32 $0x0;
	s5 =	sshll.u32 s1, $0x4  }
.Ltmp0:
0x5: {  	s1 =	stileid.u32;
	s5 =	sand.u32 $0x10, s5;
	(pc) =	sbr.rel .LBB2_1-.Ltmp0, $4  }
0x6: {  	s2 =	sadd.s32 $0x2C000, s7;
	s3 =	sadd.s32 $0x20800, s7;
	s6 =	sor.u32 s1, s5  }
0x7: {  	[sflag:s4] =	ssyncpa.u1 $0x0;
	s5 =	simm.s32 $0x2;
	s6 =	sshll.u32 s6, $0x7  }
0x8: {  	s7 =	sadd.s32 $0xDC000, s7;
	[sflag:s5] =	ssyncpa.u1 $0x0;
	s8 =	sadd.s32 $0x80, s6  }
0x9: {  	vm0 =	vmmov $0xff;
	vm1 =	vcmask $0x3F20;
	[sflag:s9] =	ssyncpa.u1 $0x0;
	s9 =	simm.s32 $0x80;
	s11 =	smov.u32 s6  }
.LBB2_9:
0xa: {  	p0 =	seq.s32 s10, $0x2  }
.Ltmp1:
0xb: {  	_ = 	snop;
	(pc) =	sbr.rel @p0 .LBB2_11-.Ltmp1, $1  }
0xc: {  	_ =	sdelay $0x3  }
.LBB2_10:
0xd: {  	s12 =	sadd.s32 $0x80, s11  }
0xe: {  	s13 =	smov.u32 s6;
	p0 =	slt.s32 s12, s8  }
0xf: {  	s13 =	smov.u32 @p0 s12  }
0x10: {  	s10 =	sadd.s32 $0x1, s10;
	s12 =	smov.u32 s11;
	s11 =	smov.u32 s13  }
.LBB2_1:
0x11: {  	p0 =	sne.s32 s10, $0x0  }
.Ltmp2:
0x12: {  	_ = 	snop;
	(pc) =	sbr.rel @!p0 .LBB2_2-.Ltmp2, $1  }
0x13: {  	_ =	sdelay $0x3  }
0x14: {  	s13 =	sand.u32 $0x1, s10  }
0x15: {  	p0 =	seq.s32 s13, $0x0  }
.Ltmp3:
0x16: {  	_ = 	snop;
	(pc) =	sbr.rel @p0 .LBB2_9-.Ltmp3, $1  }
0x17: {  	_ =	sdelay $0x3  }
0x18: {  	_ =	swait.ge [sflag:s5], $0x80  }
0x19: {  	[sflag:s5] =	ssyncset.done $0x0  }
0x1a: {  	s13 =	simm.s32 $0x0;
	[sflag:s5] =	ssyncadd.s32 $0xFFFFFF80  }
0x1b: {  	v0 =	vld.msk [tilespmem:s13+$0x80 ss:$0x1], $0xffff;
	_ =	sdelay $0x4  }
0x1c: {  	v1 =	vshll.u32 v0, $0x5  }
0x1d: {  	vm2 =	veq.s32 v0, $0x80000000;
	v0 =	vshll.u32 v0, $0x12;
	v1 =	vand.u32 $0x3FF80, v1  }
0x1e: {  	v0 =	vand.u32 $0xC0000, v0;
	v1 =	vsel vm2, $0xFFFFFF80, v1  }
0x1f: {  	v0 =	vsel vm2, $0xFFFC0000, v0;
	v2 =	vand.u32 $0xFFFFFC00, v1  }
0x20: {  	v1 =	vand.u32 $0x380, v1;
	v0 =	vadd.s32 v0, v2  }
0x21: {  	v0 =	vor.u32 v1, v0  }
0x22: {  	v0 =	vshrl.u32 v0, $0x3;
	_ =	sdelay $0x3  }
0x23: {  	s13 =	simm.s32 $0x4100  }
0x24: {  	[tilespmem:s13], [sflag:$0x1] =	stream.indirect_vreg.gather [hbm:s2], $0x80, v0, vm0, $0x38;
	[tilespmem:$0x8100] =	vst v63  }
0x25: {  	s14 =	simm.s32 $0x4500;
	s31 =	simm.s32 $0x10  }
0x26: {  	[tilespmem:s14], [sflag:$0x1] =	stream.indirect_vreg.gather [hbm:s2], $0x80, v0, vm1, $0x38;
	[tilespmem:$0x8100] =	vst v63  }
0x27: {  	s14 =	simm.s32 $0x80;
	v0 =	vld.msk [tilespmem:s31+$0x80 ss:$0x1], $0xffff  }
.LBB2_5:
0x28: {  	p0 =	sne.s32 s14, $0x1C0;
	_ =	sdelay $0x4  }
0x29: {  	v1 =	vshll.u32 v0, $0x5  }
0x2a: {  	vm2 =	veq.s32 v0, $0x80000000;
	v0 =	vshll.u32 v0, $0x12;
	v1 =	vand.u32 $0x3FF80, v1  }
0x2b: {  	v0 =	vand.u32 $0xC0000, v0;
	v1 =	vsel vm2, $0xFFFFFF80, v1  }
0x2c: {  	v0 =	vsel vm2, $0xFFFC0000, v0;
	v2 =	vand.u32 $0xFFFFFC00, v1  }
0x2d: {  	v1 =	vand.u32 $0x380, v1;
	v0 =	vadd.s32 v0, v2  }
0x2e: {  	v0 =	vor.u32 v1, v0  }
0x2f: {  	v0 =	vshrl.u32 v0, $0x3;
	_ =	sdelay $0x3  }
.Ltmp4:
0x30: {  	s13 =	sadd.s32 $0x800, s13;
	(pc) =	sbr.rel @p0 .LBB2_5-.Ltmp4, $4  }
0x31: {  	[tilespmem:s13], [sflag:$0x1] =	stream.indirect_vreg.gather [hbm:s2], $0x80, v0, vm0, $0x38;
	[tilespmem:$0x8100] =	vst v63  }
0x32: {  	s15 =	sshra.s32 s14, $0x2;
	s16 =	sadd.s32 $0x400, s13  }
0x33: {  	[tilespmem:s16], [sflag:$0x1] =	stream.indirect_vreg.gather [hbm:s2], $0x80, v0, vm1, $0x38;
	[tilespmem:$0x8100] =	vst v63  }
0x34: {  	s14 =	sadd.s32 $0x40, s14;
	v0 =	vld.msk [tilespmem:s15+$0x80 ss:$0x1], $0xffff  }
0x35: {  	_ =	sdelay $0x3  }
0x36: {  	v1 =	vshll.u32 v0, $0x5  }
0x37: {  	vm2 =	veq.s32 v0, $0x80000000;
	v63 =	vshll.u32 v0, $0x12;
	v1 =	vand.u32 $0x3FF80, v1  }
0x38: {  	v0 =	vand.u32 $0xC0000, v63;
	v1 =	vsel vm2, $0xFFFFFF80, v1  }
0x39: {  	v0 =	vsel vm2, $0xFFFC0000, v0;
	v2 =	vand.u32 $0xFFFFFC00, v1  }
0x3a: {  	v1 =	vand.u32 $0x380, v1;
	v0 =	vadd.s32 v0, v2  }
0x3b: {  	v0 =	vor.u32 v1, v0  }
0x3c: {  	v0 =	vshrl.u32 v0, $0x3;
	_ =	sdelay $0x3  }
0x3d: {  	s13 =	sadd.s32 $0x800, s13  }
0x3e: {  	[tilespmem:s13], [sflag:$0x1] =	stream.indirect_vreg.gather [hbm:s2], $0x80, v0, vm0, $0x38;
	[tilespmem:$0x8100] =	vst v63  }
0x3f: {  	s13 =	sadd.s32 $0x400, s13  }
0x40: {  	[tilespmem:s13], [sflag:$0x1] =	stream.indirect_vreg.gather [hbm:s2], $0x80, v0, vm1, $0x38;
	[tilespmem:$0x8100] =	vst v63  }
0x41: {  	s12 =	sshll.u32 s12, $0x4;
	s14 =	simm.s32 $0x80;
	_ =	swait.ge [sflag:s4], $0x4000  }
0x42: {  	s15 =	simm.s32 $0x4500;
	s12 =	sadd.s32 s12, s7;
	[sflag:s4] =	ssyncset.done $0x0  }
0x43: {  	s16 =	sadd.s32 $0x0, s12;
	s13 =	simm.s32 $0x4100;
	[sflag:s4] =	ssyncadd.s32 $0xFFFFC000  }
.LBB2_7:
0x44: {  	[hbm:s16] =	stream.linear.scatter [tilespmem:s13], [sflag:$0x3], $0x400, $0x38;
	[tilespmem:$0x8100] =	vst v63  }
0x45: {  	s16 =	smov.u32 s14;
	s13 =	smov.u32 s15;
	p0 =	sne.s32 s14, $0x780  }
.Ltmp5:
0x46: {  	s14 =	sadd.s32 $0x80, s14;
	(pc) =	sbr.rel @p0 .LBB2_7-.Ltmp5, $2  }
0x47: {  	_ =	sdelay $0x2  }
0x48: {  	s15 =	sadd.s32 $0x400, s15;
	s16 =	sadd.s32 s16, s12  }
.Ltmp6:
0x49: {  	(pc) =	sbr.rel .LBB2_9-.Ltmp6, $2  }
0x4a: {  	_ =	sdelay $0x2  }
0x4b: {  	[hbm:s16] =	stream.linear.scatter [tilespmem:s13], [sflag:$0x3], $0x400, $0x38;
	[tilespmem:$0x8100] =	vst v63  }
.LBB2_2:
.Ltmp7:
0x4c: {  	(pc) =	sbr.rel .LBB2_10-.Ltmp7, $4  }
0x4d: {  	_ = 	snop  }
0x4e: {  	s12 =	sshrl.u32 s11, $0x3  }
0x4f: {  	s13 =	sand.u32 $0x7, s11;
	s12 =	sadd.s32 s3, s12  }
0x50: {  	[tilespmem:s9], [sflag:$0x2] =	stream.linear.gather [hbm4b:s12+s13], $0x80, $0x38;
	[tilespmem:$0x8100] =	vst v63  }
.LBB2_11:
0x51: {  	s2 =	simm.s32 $0x3  }
0x52: {  	_ =	swait.ge [sflag:s2], $0x4000  }
0x53: {  	[sflag:s2] =	ssyncset.done $0x0  }
0x54: {  	[sflag:s2] =	ssyncadd.s32 $0xFFFFC000  }
0x55: {  	_ =	sfence.sel $0x180000  }
0x56: {  	s3 =	simm.s32 $0x2;
	[bflag:$0x0] =	sbarrier.arrive $0xFFFF  }
0x57: {  	[sflag:s3] =	ssyncpa.u1 $0x1  }
0x58: {  	s31 =	simm.s32 $0x1;
	[sflag:s2] =	ssyncpa.u1 $0x1  }
0x59: {  	[sflag:s31] =	ssyncpa.u1 $0x1  }
0x5a: {  	p0 =	sne.s32 s1, $0x0;
	_ =	strace $0x9000004D  }
0x5b: {  	s0 =	sadd.s32 @!p0 $0x100000, s0;
	[bflag:$0x2] =	sbarrier.arrive $0xFFFF  }
0x5c: {  	[sflag:s0] =	ssyncadd.tile.s32 @!p0 $0x1;
	_ =	shalt  }
.Lfunc_end2:
_tile_overlayer_lowered:
.L_overlay_start_2:
0x5d: {  	(tag) =	ssettag $0x2  }
0x5e: {  	s0 =	rddreg [dreg:$0x0];
	s2 =	stileid.u32  }
0x5f: {  	s1 =	rddreg [dreg:$0x1];
	p0 =	sne.s32 s2, $0x0  }
0x60: {  	s3 =	rddreg [dreg:$0x2];
	[bflag:$0x3] =	sbarrier.arrive $0xFFFF;
	s2 =	simm.s32 @!p0 $0x1C01  }
0x61: {  	[timem:s3], [sflag:s2] =	dma.local @!p0 [hbm:s0], s1  }
0x62: {  	s0 =	simm.s32 @!p0 $0x1  }
0x63: {  	_ =	swait.ge @!p0 [sflag:s0], s1  }
0x64: {  	s1 =	ssub.s32 @!p0 $0x0, s1;
	[sflag:s0] =	ssyncset.done @!p0 $0x0  }
0x65: {  	[sflag:s0] =	ssyncadd.s32 @!p0 s1  }
0x66: {  	[bflag:$0x3] =	sbarrier.arrive $0xFFFF  }
0x67: {  	_ =	shalt  }

// kernel: gather_offload_async_start
scs
__scs_entry_jumppad:
0x0: {  	(pc) =	sbr.rel $0x88, $3  }
0x1: {  	(tag) =	ssettag $0x0;
	lr =	simm.s32 $0x1  }
0x2: {  	[smem:$0x3F75] =	sst lr;
	_ =	strace $0xD0000000  }
0x3: {  	_ = 	snop  }
0x4: {  	_ = 	snop  }
0x5: {  	_ = 	snop  }
0x6: {  	_ = 	snop  }
0x7: {  	_ = 	snop  }
__scs_overlays_trampoline_lowered:
0x8: {  	[smem:$0x3F84] =	sst s0  }
0x9: {  	[smem:$0x3F85] =	sst s1  }
0xa: {  	[smem:$0x3F86] =	sst s2  }
0xb: {  	[smem:$0x3F87] =	sst s3  }
0xc: {  	[smem:$0x3F88] =	sst s4  }
0xd: {  	[smem:$0x3F89] =	sst s5  }
0xe: {  	[smem:$0x3F8A] =	sst s6  }
0xf: {  	[smem:$0x3F8B] =	sst s7  }
0x10: {  	[smem:$0x3F8C] =	sst s8  }
0x11: {  	[smem:$0x3F8D] =	sst s9;
	s0 =	simm.s32 @!p0 $0x0  }
0x12: {  	s1 =	sld [smem:$0x3F73];
	s0 =	simm.s32 @p0 $0x1  }
0x13: {  	[smem:$0x3F8E] =	sst s0;
	s0 =	simm.s32 @!p1 $0x0  }
0x14: {  	s2 =	sld [smem:$0x3F72];
	s0 =	simm.s32 @p1 $0x1  }
0x15: {  	[smem:$0x3F8F] =	sst s0;
	s0 =	simm.s32 @!p2 $0x0  }
0x16: {  	s3 =	sld [smem:$0x3FDB];
	s0 =	simm.s32 @p2 $0x1  }
0x17: {  	s4 =	simm.s32 $0x1BF5;
	[smem:$0x3F91] =	sst s0  }
0x18: {  	s0 =	sld [smem:$0x3F74];
	_ =	swait.ge [sflag:s4], $0x0  }
0x19: {  	s7 =	sld [smem:$0x3F75]  }
0x1a: {  	s8 =	sadd.s32 $0xFFFFE003, lr  }
0x1b: {  	s9 =	sadd.s32 $0xFFFFFEF7, lr;
	s5 =	simm.s32 $0xFFFFFFFF;
	p2 =	slt.u32 s8, $0xFFFFF086  }
0x1c: {  	p1 =	slt.u32 s9, $0xF7A;
	s5 =	simm.s32 @!p2 $0x0  }
0x1d: {  	s5 =	simm.s32 @p1 $0x1;
	p0 =	seq.s32 s7, s2  }
0x1e: {  	s7 =	smul.u32 @!p0 $0xF7A, s2;
	p2 =	seq.s32 @!p0 s5, $0x0  }
0x1f: {  	s9 =	smul.u32 $0xF7A, s1;
	s8 =	simm.s32 @!p0 $0x1BF5;
	p2 =	por !p2, p0  }
0x20: {  	[sflag:s8] =	ssyncset.s32 @!p0 $0xFFFFF086;
	s6 =	sadd.s32 @!p0 s3, s7;
	s7 =	simm.s32 @!p0 $0x108  }
0x21: {  	s3 =	sadd.s32 s3, s9;
	s6 =	sadd.s32 @!p0 $0x88, s6;
	s7 =	simm.s32 @p2 $0x1082  }
0x22: {  	[simem:s7], [sflag:s8] =	dma.local @!p0 [hbm:s6], $0xF7A  }
0x23: {  	s9 =	sor.u32 $0xD0000000, s2;
	s6 =	simm.s32 $0x108;
	_ =	swait.ge @!p0 [sflag:s8], $0x0  }
0x24: {  	s3 =	sadd.s32 $0x88, s3;
	s6 =	simm.s32 @!p1 $0x1082;
	[sflag:s4] =	ssyncset.s32 $0xFFFFF086  }
0x25: {  	[simem:s6], [sflag:s4] =	dma.local [hbm:s3], $0xF7A  }
0x26: {  	[smem:$0x3F75] =	sst s1;
	(tag) =	ssettag s2;
	_ =	strace s9  }
0x27: {  	s1 =	sld [smem:$0x3F85]  }
0x28: {  	s2 =	sld [smem:$0x3F86]  }
0x29: {  	s4 =	sld [smem:$0x3F88]  }
0x2a: {  	p0 =	seq.s32 s5, $0x0;
	s5 =	sld [smem:$0x3F89]  }
0x2b: {  	s6 =	sld [smem:$0x3F8A]  }
0x2c: {  	s7 =	sld [smem:$0x3F8B]  }
0x2d: {  	s3 =	simm.s32 $0x108;
	s8 =	sld [smem:$0x3F8C]  }
0x2e: {  	s3 =	simm.s32 @!p0 $0x1082;
	s9 =	sld [smem:$0x3F8D]  }
0x2f: {  	lr =	sadd.s32 s0, s3;
	s0 =	sld [smem:$0x3F84]  }
0x30: {  	s3 =	sld [smem:$0x3F87]  }
0x31: {  	[smem:$0x3F90] =	sst s10  }
0x32: {  	s10 =	sld [smem:$0x3F8E];
	_ =	sdelay $0x3  }
0x33: {  	p0 =	seq.s32 s10, $0x1;
	s10 =	sld [smem:$0x3F90];
	_ =	sdelay $0x3  }
0x34: {  	[smem:$0x3F90] =	sst s10  }
0x35: {  	s10 =	sld [smem:$0x3F8F];
	_ =	sdelay $0x3  }
0x36: {  	p1 =	seq.s32 s10, $0x1;
	s10 =	sld [smem:$0x3F90];
	_ =	sdelay $0x3  }
0x37: {  	[smem:$0x3F90] =	sst s10  }
0x38: {  	s10 =	sld [smem:$0x3F91]  }
0x39: {  	_ = 	snop;
	(pc) =	sbr.ind lr, $3  }
0x3a: {  	_ = 	snop  }
0x3b: {  	_ = 	snop  }
0x3c: {  	p2 =	seq.s32 s10, $0x1;
	s10 =	sld [smem:$0x3F90]  }
0x3d: {  	_ =	shalt  }
0x3e: {  	_ =	shalt  }
0x3f: {  	_ =	shalt  }
0x40: {  	_ =	shalt  }
0x41: {  	_ =	shalt  }
0x42: {  	_ =	shalt  }
0x43: {  	_ =	shalt  }
0x44: {  	_ =	shalt  }
0x45: {  	_ =	shalt  }
0x46: {  	_ =	shalt  }
0x47: {  	_ =	shalt  }
0x48: {  	_ =	shalt  }
0x49: {  	_ =	shalt  }
0x4a: {  	_ =	shalt  }
0x4b: {  	_ =	shalt  }
0x4c: {  	_ =	shalt  }
0x4d: {  	_ =	shalt  }
0x4e: {  	_ =	shalt  }
0x4f: {  	_ =	shalt  }
0x50: {  	_ =	shalt  }
0x51: {  	_ =	shalt  }
0x52: {  	_ =	shalt  }
0x53: {  	_ =	shalt  }
0x54: {  	_ =	shalt  }
0x55: {  	_ =	shalt  }
0x56: {  	_ =	shalt  }
0x57: {  	_ =	shalt  }
0x58: {  	_ =	shalt  }
0x59: {  	_ =	shalt  }
0x5a: {  	_ =	shalt  }
0x5b: {  	_ =	shalt  }
0x5c: {  	_ =	shalt  }
0x5d: {  	_ =	shalt  }
0x5e: {  	_ =	shalt  }
0x5f: {  	_ =	shalt  }
0x60: {  	_ =	shalt  }
0x61: {  	_ =	shalt  }
0x62: {  	_ =	shalt  }
0x63: {  	_ =	shalt  }
0x64: {  	_ =	shalt  }
0x65: {  	_ =	shalt  }
0x66: {  	_ =	shalt  }
0x67: {  	_ =	shalt  }
0x68: {  	_ =	shalt  }
0x69: {  	_ =	shalt  }
0x6a: {  	_ =	shalt  }
0x6b: {  	_ =	shalt  }
0x6c: {  	_ =	shalt  }
0x6d: {  	_ =	shalt  }
0x6e: {  	_ =	shalt  }
0x6f: {  	_ =	shalt  }
0x70: {  	_ =	shalt  }
0x71: {  	_ =	shalt  }
0x72: {  	_ =	shalt  }
0x73: {  	_ =	shalt  }
0x74: {  	_ =	shalt  }
0x75: {  	_ =	shalt  }
0x76: {  	_ =	shalt  }
0x77: {  	_ =	shalt  }
0x78: {  	_ =	shalt  }
0x79: {  	_ =	shalt  }
0x7a: {  	_ =	shalt  }
0x7b: {  	_ =	shalt  }
0x7c: {  	_ =	shalt  }
0x7d: {  	_ =	shalt  }
0x7e: {  	_ =	shalt  }
0x7f: {  	_ =	shalt  }
0x80: {  	_ =	shalt  }
0x81: {  	_ =	shalt  }
0x82: {  	_ =	shalt  }
0x83: {  	_ =	shalt  }
0x84: {  	_ =	shalt  }
0x85: {  	_ =	shalt  }
0x86: {  	_ =	shalt  }
0x87: {  	_ =	shalt  }
.Lfunc_end0:
.L_simem_size_0:
called_computation_lowered:
.L_overlay_start_0:
0x88: {  	s2 =	sld [smem:$0x3FD9]  }
0x89: {  	s3 =	sld [smem:$0x3FFE];
	_ =	sdelay $0x1  }
0x8a: {  	s1 =	srdreg.scid  }
0x8b: {  	s0 =	sand.u32 $0x1, s1  }
0x8c: {  	s17 =	sshll.u32 s0, $0xA;
	s2 =	sadd.s32 s3, s2  }
0x8d: {  	s2 =	sadd.s32 s2, s17  }
0x8e: {  	[smem:$0x3F9C] =	sst s2  }
0x8f: {  	_ = 	snop  }
0x90: {  	s2 =	sld [smem:$0x3FC7];
	(tm) =	ssettm $0x1  }
0x91: {  	s18 =	sld [smem:$0x3FFB];
	_ =	sdelay $0x3  }
0x92: {  	_ =	strace s18  }
0x93: {  	s3 =	sld [smem:$0x3FFC];
	_ =	sdelay $0x3  }
0x94: {  	_ =	strace s3  }
0x95: {  	s3 =	sld [smem:$0x3FFD];
	_ =	sdelay $0x3  }
0x96: {  	_ =	strace s3  }
0x97: {  	_ =	strace $0x8FFFFFFF  }
0x98: {  	s19 =	sld [smem:$0x3FDB];
	_ =	sdelay $0x1  }
0x99: {  	s4 =	simm.s32 $_scs_section_size  }
0x9a: {  	s5 =	simm.s32 $_size__tile_overlayer_lowered;
	s6 =	simm.s32 $_tile_overlayer_lowered  }
0x9b: {  	s22 =	simm.s32 $0x1BFF;
	s21 =	sshll.u32 s6, $0x1;
	s3 =	sadd.s32 s4, s19  }
0x9c: {  	s7 =	simm.s32 $0x0;
	s20 =	sshll.u32 s5, $0x1;
	s5 =	sadd.s32 s21, s3  }
0x9d: {  	[timem:s7], [sflag:s22] =	dma.local [hbm:s5], s20  }
0x9e: {  	_ =	swait.ge [sflag:s22], s20  }
0x9f: {  	s4 =	ssub.s32 $0x0, s20;
	[sflag:s22] =	ssyncset.done $0x0  }
0xa0: {  	[sflag:s22] =	ssyncadd.s32 s4;
	_ =	sdelay $0x1  }
0xa1: {  	s23 =	simm.s32 $0x1B8B  }
0xa2: {  	_ =	swait.ge [sflag:s23], $0x1  }
0xa3: {  	[sflag:s23] =	ssyncset.done $0x0  }
0xa4: {  	s25 =	simm.s32 $0x1B8E;
	s24 =	sld [smem:$0x3FFE];
	[sflag:s23] =	ssyncadd.s32 $0xFFFFFFFF  }
0xa5: {  	s26 =	simm.s32 $execute0_lowered;
	[smem:$0x3FD2] =	sst s25  }
0xa6: {  	s5 =	sshll.u32 s26, $0x1;
	_ =	strace $0x80000046;
	[dreg:$0x1] =	wrdreg $0xFFFFFFFF  }
0xa7: {  	s28 =	simm.s32 $_size_execute0_lowered;
	s3 =	sadd.s32 s3, s5;
	[dreg:$0x0] =	wrdreg $0x0  }
0xa8: {  	s5 =	sshll.u32 s28, $0x1;
	[dreg:$0x2] =	wrdreg s3  }
0xa9: {  	[dreg:$0x3] =	wrdreg s5  }
0xaa: {  	[dreg:$0x4] =	wrdreg $0xC0  }
0xab: {  	_ =	task [dreg:s7], $0x5FFFF  }
0xac: {  	[dreg:$0x1] =	wrdreg $0xFFFFFFFF  }
0xad: {  	[dreg:$0x0] =	wrdreg $0x60  }
0xae: {  	[dreg:$0x2] =	wrdreg s2  }
0xaf: {  	[dreg:$0x3] =	wrdreg s24  }
0xb0: {  	[dreg:$0x4] =	wrdreg $0x9  }
0xb1: {  	_ =	task.clear_ibuf [dreg:s7], $0x5FFFF;
	_ =	strace $0x90000046  }
0xb2: {  	s29 =	simm.s32 $0x9;
	_ =	strace $0x80000048  }
0xb3: {  	_ =	swait.ge [sflag:s29], $0x1  }
0xb4: {  	[sflag:s29] =	ssyncadd.s32 $0xFFFFFFFF  }
0xb5: {  	_ =	strace $0x90000048  }
0xb6: {  	_ =	sfence  }
0xb7: {  	s30 =	sld [smem:$0x0];
	_ =	sdelay $0x2  }
0xb8: {  	s31 =	sshll.u32 s1, $0xD;
	s1 =	sshrl.u32 s1, $0x2  }
0xb9: {  	s3 =	sand.u32 $0x4000, s31;
	s1 =	sadd.s32 s1, s30  }
0xba: {  	s0 =	sor.u32 s3, s0;
	s1 =	sshll.u32 s1, $0x11  }
0xbb: {  	s0 =	sor.u32 s1, s0  }
0xbc: {  	s0 =	sadd.s32 $0x8F2B, s0  }
0xbd: {  	[sflag:s0] =	ssyncadd.remote.s32 $0x1  }
0xbe: {  	_ =	sfence.sel $0xFFFF  }
0xbf: {  	[dreg:$0x0] =	wrdreg $0xFFFFFFFF;
	(pc) =	sbr.abs _section_cstart, $3  }
0xc0: {  	[dreg:$0x1] =	wrdreg $0xFFFFFFFF  }
0xc1: {  	_ =	task.clear_ibuf [dreg:s7], $0x2FFFF;
	_ =	strace $0x9FFFFFFF  }
0xc2: {  	(tm) =	ssettm $0x7FFFFFFF  }
0xc3: {  	_ =	shalt  }
tec
execute0_lowered:
.L_overlay_start_1:
0x0: {  	(tag) =	ssettag $0x1  }
0x1: {  	s1 =	srdreg.scid;
	s2 =	rddreg [dreg:$0x0]  }
0x2: {  	s0 =	stileid.u32;
	s5 =	rddreg [dreg:$0x1];
	s6 =	simm.s32 $0x1  }
0x3: {  	s9 =	simm.s32 $0x1;
	s10 =	simm.s32 $0x3;
	s1 =	sshll.u32 s1, $0x7  }
0x4: {  	s13 =	simm.s32 $0x0;
	s3 =	sshll.u32 s0, $0x8;
	s4 =	sand.u32 $0x80, s1  }
0x5: {  	s12 =	simm.s32 $0x0;
	s1 =	rddreg [dreg:$0x2];
	s3 =	sor.u32 s3, s4  }
0x6: {  	_ =	strace $0x80000047;
	s4 =	sadd.s32 $0x20400, s5;
	s8 =	ssub.s32 $0x2000, s3  }
.Ltmp0:
0x7: {  	s5 =	sadd.s32 $0x20A00, s5;
	s7 =	sand.u32 $0xF80, s8;
	(pc) =	sbr.rel .LBB2_1-.Ltmp0, $4  }
0x8: {  	[sflag:s6] =	ssyncpa.u1 $0x0;
	s11 =	smov.u32 s3;
	p0 =	sne.s32 s7, $0x0  }
0x9: {  	s8 =	sshrl.u32 s8, $0xC;
	s7 =	simm.s32 $0x2;
	s9 =	simm.s32 @!p0 $0x0  }
0xa: {  	[sflag:s7] =	ssyncpa.u1 $0x0;
	p0 =	por $0x0, $0x0;
	s8 =	sadd.s32 s9, s8  }
0xb: {  	vm0 =	vmmov $0xffff;
	[sflag:s10] =	ssyncpa.u1 $0x0;
	s10 =	simm.s32 $0x0;
	s9 =	sadd.s32 $0x1, s8  }
.LBB2_4:
0xc: {  	v5 =	vld.msk [tilespmem:s18+$0x0 ss:$0x1], $0xffff  }
0xd: {  	v6 =	vand.u32 $0x3, v1;
	v7 =	vshrl.u32 v1, $0x2  }
0xe: {  	v3 =	vor.u32 v4, v3;
	vm1 =	veq.s32 v1, $0x80000000;
	v53 =	vand.u32 $0x7FF, v7  }
0xf: {  	v2 =	vor.u32 v2, v3;
	v54 =	vsel vm1, $0xFFFFFFFF, v6;
	v1 =	vsel vm1, $0xFFFFFFFF, v53  }
0x10: {  	v6 =	vshll.u32 v54, $0x7;
	v3 =	vand.u32 $0xFFFFE000, v54;
	v55 =	vand.u32 $0x7F, v1  }
0x11: {  	v1 =	vshll.u32 v1, $0x2;
	v6 =	vand.u32 $0x180, v6;
	v56 =	vshrl.u32 v5, $0x2  }
0x12: {  	v1 =	vand.u32 $0xFFFFFE00, v1;
	vm1 =	veq.s32 v5, $0x80000000;
	v57 =	vand.u32 $0x7FF, v56  }
0x13: {  	v1 =	vadd.s32 v3, v1;
	v5 =	vand.u32 $0x3, v5;
	v3 =	vsel vm1, $0xFFFFFFFF, v57  }
0x14: {  	v1 =	vor.u32 v6, v1;
	v5 =	vsel vm1, $0xFFFFFFFF, v5;
	v58 =	vshll.u32 v3, $0x2  }
0x15: {  	v59 =	vshll.u32 v5, $0x7;
	v5 =	vand.u32 $0xFFFFE000, v5;
	v6 =	vand.u32 $0xFFFFFE00, v58  }
0x16: {  	v1 =	vor.u32 v55, v1;
	v61 =	vand.u32 $0x180, v59;
	v60 =	vadd.s32 v5, v6  }
0x17: {  	[tilespmem:s16], [sflag:$0x1] =	stream.indirect_vreg.gather [hbm4b:s2+s10], $0x1, v0, vm0, $0x4038;
	v62 =	vand.u32 $0x7F, v3;
	v63 =	vor.u32 v61, v60;
	[tilespmem:$0x200] =	vst v63  }
0x18: {  	(ifvalue) =	ssetifvalue $0x7FFFFFFF;
	v0 =	vor.u32 v62, v63  }
0x19: {  	[tilespmem:s15], [sflag:$0x1] =	stream.indirect_vreg.gather [hbm4b:s2+s10], $0x1, v2, vm0, $0x4038;
	[tilespmem:$0x200] =	vst v63  }
0x1a: {  	s29 =	sadd.s32 $0x10, s15;
	(ifvalue) =	ssetifvalue $0x7FFFFFFF  }
0x1b: {  	[tilespmem:s29], [sflag:$0x1] =	stream.indirect_vreg.gather [hbm4b:s2+s10], $0x1, v1, vm0, $0x4038;
	[tilespmem:$0x200] =	vst v63  }
0x1c: {  	s15 =	sadd.s32 $0x10, s29;
	(ifvalue) =	ssetifvalue $0x7FFFFFFF  }
0x1d: {  	[tilespmem:s15], [sflag:$0x1] =	stream.indirect_vreg.gather [hbm4b:s2+s10], $0x1, v0, vm0, $0x4038;
	[tilespmem:$0x200] =	vst v63  }
0x1e: {  	_ =	swait.ge [sflag:s6], $0x80  }
0x1f: {  	s30 =	sshrl.u32 s13, $0x3;
	[sflag:s6] =	ssyncset.done $0x0  }
0x20: {  	s31 =	sand.u32 $0x7, s13;
	s15 =	sadd.s32 s5, s30;
	[sflag:s6] =	ssyncadd.s32 $0xFFFFFF80  }
0x21: {  	[hbm4b:s15+s31] =	stream.linear.scatter [tilespmem:s14], [sflag:$0x3], $0x80, $0x38;
	[tilespmem:$0x200] =	vst v63  }
.LBB2_5:
0x22: {  	s15 =	sadd.s32 $0x1000, s11  }
0x23: {  	p2 =	sgt.s32 s15, $0x1FFF  }
0x24: {  	s15 =	smov.u32 @p2 s3;
	p2 =	sne.s32 s12, s9  }
.Ltmp1:
0x25: {  	p1 =	slt.u32 s12, $0x2;
	(pc) =	sbr.rel @!p2 .LBB2_6-.Ltmp1, $4  }
0x26: {  	s14 =	simm.s32 @!p1 $0x3  }
0x27: {  	s16 =	sadd.s32 $0x1, s12;
	_ =	swait.ge @!p1 [sflag:s14], $0x80  }
0x28: {  	s13 =	smov.u32 s11;
	p0 =	por !p0, !p0;
	[sflag:s14] =	ssyncset.done @!p1 $0x0  }
0x29: {  	s12 =	smov.u32 s16;
	s11 =	smov.u32 s15;
	[sflag:s14] =	ssyncadd.s32 @!p1 $0xFFFFFF80  }
.LBB2_1:
0x2a: {  	p1 =	sge.u32 s12, s8  }
0x2b: {  	s14 =	sxor.u32 @!p1 $0xFFFFFFFF, s12  }
0x2c: {  	s31 =	sadd.s32 $0xFFFFFFFF, s12;
	s15 =	sshrl.u32 @!p1 s11, $0x3;
	s14 =	sshll.u32 @!p1 s14, $0x7  }
0x2d: {  	s16 =	sand.u32 @!p1 $0x7, s11;
	s15 =	sadd.s32 @!p1 s4, s15;
	s14 =	sand.u32 @!p1 $0x80, s14  }
0x2e: {  	[tilespmem:s14], [sflag:$0x2] =	stream.linear.gather @!p1 [hbm4b:s15+s16], $0x80, $0x38;
	[tilespmem:$0x200] =	vst v63  }
0x2f: {  	p1 =	sge.u32 s31, s8  }
.Ltmp2:
0x30: {  	_ = 	snop;
	(pc) =	sbr.rel @p1 .LBB2_5-.Ltmp2, $1  }
0x31: {  	_ =	sdelay $0x3  }
0x32: {  	s14 =	simm.s32 $0x1  }
0x33: {  	_ =	swait.ge [sflag:s7], $0x80;
	s14 =	simm.s32 @!p0 $0x0  }
0x34: {  	[sflag:s7] =	ssyncset.done $0x0;
	s14 =	sshll.u32 s14, $0x7  }
0x35: {  	[sflag:s7] =	ssyncadd.s32 $0xFFFFFF80;
	(ifvalue) =	ssetifvalue $0x7FFFFFFF;
	v0 =	vld.msk [tilespmem:s14+$0x0 ss:$0x1], $0xffff;
	_ =	sdelay $0x4  }
0x36: {  	s15 =	sadd.s32 $0x10, s14;
	v2 =	vshrl.u32 v0, $0x2  }
0x37: {  	v1 =	vld.msk [tilespmem:s15+$0x0 ss:$0x1], $0xffff;
	vm1 =	veq.s32 v0, $0x80000000;
	v2 =	vand.u32 $0x7FF, v2  }
0x38: {  	v0 =	vand.u32 $0x3, v0;
	v2 =	vsel vm1, $0xFFFFFFFF, v2  }
0x39: {  	v0 =	vsel vm1, $0xFFFFFFFF, v0;
	v3 =	vshll.u32 v2, $0x2  }
0x3a: {  	v4 =	vand.u32 $0xFFFFE000, v0;
	v0 =	vshll.u32 v0, $0x7;
	v3 =	vand.u32 $0xFFFFFE00, v3  }
0x3b: {  	v0 =	vand.u32 $0x180, v0;
	v3 =	vadd.s32 v4, v3  }
0x3c: {  	v2 =	vand.u32 $0x7F, v2;
	v4 =	vshrl.u32 v1, $0x2;
	v0 =	vor.u32 v0, v3  }
0x3d: {  	vm1 =	veq.s32 v1, $0x80000000;
	v4 =	vand.u32 $0x7FF, v4;
	v0 =	vor.u32 v2, v0  }
0x3e: {  	s16 =	sshll.u32 s12, $0x7;
	s15 =	sadd.s32 $0x10, s15;
	v1 =	vand.u32 $0x3, v1;
	v3 =	vsel vm1, $0xFFFFFFFF, v4  }
0x3f: {  	s17 =	sand.u32 $0x80, s16;
	v2 =	vsel vm1, $0xFFFFFFFF, v1;
	v1 =	vld.msk [tilespmem:s15+$0x0 ss:$0x1], $0xffff;
	v4 =	vshll.u32 v3, $0x2  }
0x40: {  	s16 =	sor.u32 $0x100, s14;
	s14 =	sor.u32 $0x100, s17;
	s17 =	simm.s32 $0x30;
	v5 =	vshll.u32 v2, $0x7;
	v6 =	vand.u32 $0xFFFFE000, v2;
	v4 =	vand.u32 $0xFFFFFE00, v4  }
0x41: {  	s18 =	sadd.s32 $0x10, s15;
	(ifvalue) =	ssetifvalue $0x7FFFFFFF;
	s15 =	sadd.s32 $0x10, s16;
	v2 =	vand.u32 $0x7F, v3;
	v3 =	vadd.s32 v6, v4;
	v4 =	vand.u32 $0x180, v5  }
.LBB2_3:
0x42: {  	[tilespmem:s16], [sflag:$0x1] =	stream.indirect_vreg.gather [hbm4b:s2+s10], $0x1, v0, vm0, $0x4038;
	[tilespmem:$0x200] =	vst v63  }
0x43: {  	s17 =	sadd.s32 $0x10, s17  }
0x44: {  	v5 =	vand.u32 $0x3, v1;
	v6 =	vshrl.u32 v1, $0x2;
	v3 =	vor.u32 v4, v3;
	v0 =	vmovc v1;
	v1 =	vld.msk [tilespmem:s18+$0x0 ss:$0x1], $0xffff;
	p1 =	slt.u32 s17, $0x70  }
.Ltmp3:
0x45: {  	s16 =	smov.u32 s15;
	vm1 =	veq.s32 v0, $0x80000000;
	v4 =	vand.u32 $0x7FF, v6;
	v0 =	vor.u32 v2, v3;
	(pc) =	sbr.rel @p1 .LBB2_3-.Ltmp3, $4  }
0x46: {  	v3 =	vsel vm1, $0xFFFFFFFF, v5;
	v4 =	vsel vm1, $0xFFFFFFFF, v4  }
0x47: {  	v2 =	vand.u32 $0x7F, v4;
	v4 =	vshll.u32 v4, $0x2;
	v5 =	vshll.u32 v3, $0x7  }
0x48: {  	v3 =	vand.u32 $0xFFFFE000, v3;
	v4 =	vand.u32 $0xFFFFFE00, v4  }
0x49: {  	s18 =	sadd.s32 $0x10, s18;
	s15 =	sadd.s32 $0x10, s15;
	v3 =	vadd.s32 v3, v4;
	v4 =	vand.u32 $0x180, v5;
	(ifvalue) =	ssetifvalue $0x7FFFFFFF  }
.Ltmp4:
0x4a: {  	_ = 	snop;
	(pc) =	sbr.rel .LBB2_4-.Ltmp4, $1  }
0x4b: {  	_ =	sdelay $0x3  }
.LBB2_6:
0x4c: {  	_ =	sfence.sel $0x180000  }
0x4d: {  	s2 =	simm.s32 $0x2;
	[bflag:$0x0] =	sbarrier.arrive $0xFFFF  }
0x4e: {  	s30 =	simm.s32 $0x3;
	[sflag:s2] =	ssyncpa.u1 $0x1  }
0x4f: {  	s31 =	simm.s32 $0x1;
	[sflag:s30] =	ssyncpa.u1 $0x1  }
0x50: {  	[sflag:s31] =	ssyncpa.u1 $0x1  }
0x51: {  	p0 =	sne.s32 s0, $0x0;
	_ =	strace $0x90000047  }
0x52: {  	s0 =	sadd.s32 @!p0 $0x100000, s1;
	[bflag:$0x2] =	sbarrier.arrive $0xFFFF  }
0x53: {  	[sflag:s0] =	ssyncadd.tile.s32 @!p0 $0x1;
	_ =	shalt  }
.Lfunc_end2:
_tile_overlayer_lowered:
.L_overlay_start_2:
0x54: {  	(tag) =	ssettag $0x2  }
0x55: {  	s0 =	rddreg [dreg:$0x0];
	s2 =	stileid.u32  }
0x56: {  	s1 =	rddreg [dreg:$0x1];
	p0 =	sne.s32 s2, $0x0  }
0x57: {  	s3 =	rddreg [dreg:$0x2];
	[bflag:$0x3] =	sbarrier.arrive $0xFFFF;
	s2 =	simm.s32 @!p0 $0x1C01  }
0x58: {  	[timem:s3], [sflag:s2] =	dma.local @!p0 [hbm:s0], s1  }
0x59: {  	s0 =	simm.s32 @!p0 $0x1  }
0x5a: {  	_ =	swait.ge @!p0 [sflag:s0], s1  }
0x5b: {  	s1 =	ssub.s32 @!p0 $0x0, s1;
	[sflag:s0] =	ssyncset.done @!p0 $0x0  }
0x5c: {  	[sflag:s0] =	ssyncadd.s32 @!p0 s1  }
0x5d: {  	[bflag:$0x3] =	sbarrier.arrive $0xFFFF  }
0x5e: {  	_ =	shalt  }

</sc_bundles>
